<compile_context>
chip_gen: v7x
topology: tpu7x:2x2x1
jax: 0.10.2.dev20260603
libtpu: 0.0.44.dev20260713+nightly
codegen_flags: <defaults>
</compile_context>

<pallas_src>
import jax
import jax.numpy as jnp
from jax import lax
from jax.experimental import pallas as pl
from jax.experimental.pallas import tpu as pltpu
from jax.experimental.pallas import tpu_sc as plsc

N = 10000
D = 128
DH = D // 2
D2 = 16
NC, NS = 2, 16
NW = NC * NS
K = 640
KC = 1024
NP = 10240
RPT = NP // NS
ZB = 64


def _make_sc_agg(d, feat_split, with_deg, eb, k):
    mesh = plsc.VectorSubcoreMesh(
        core_axis_name="c", subcore_axis_name="s", num_cores=NC, num_subcores=NS)

    def body(table_hbm, src_hbm, dst_hbm, *rest):
        if with_deg:
            (acc_out, deg_out, src_v, dst_v, rows_v, zrow_v, ones_v, dvec_v,
             acc_sh, deg_sh, sem0) = rest
        else:
            (acc_out, src_v, dst_v, rows_v, zrow_v, acc_sh, sem0) = rest
        cid = lax.axis_index("c")
        sid = lax.axis_index("s")
        zv = jnp.zeros((16,), jnp.float32)
        ov = jnp.ones((16,), jnp.float32)

        if feat_split:
            pltpu.sync_copy(src_hbm.at[cid * NS + sid], src_v)
            pltpu.sync_copy(dst_hbm.at[sid], dst_v)
        else:
            wid = sid * NC + cid
            pltpu.sync_copy(src_hbm.at[wid], src_v)
            pltpu.sync_copy(dst_hbm.at[wid], dst_v)

        def _zrow(i, c):
            zrow_v[i // (d // 16), pl.ds((i % (d // 16)) * 16, 16)] = zv
            return c
        lax.fori_loop(0, (ZB * d) // 16, _zrow, 0)
        if with_deg:
            def _ones(i, c):
                ones_v[pl.ds(i * 16, 16)] = ov
                return c
            lax.fori_loop(0, k // 16, _ones, 0)
            def _zvec(i, c):
                dvec_v[pl.ds(i * 16, 16)] = zv
                return c
            lax.fori_loop(0, RPT // 16, _zvec, 0)

        base = sid * RPT
        def _zacc(i, c):
            pltpu.sync_copy(zrow_v, acc_sh.at[pl.ds(base + i * ZB, ZB)])
            return c
        lax.fori_loop(0, RPT // ZB, _zacc, 0)
        if with_deg:
            pltpu.sync_copy(dvec_v, deg_sh.at[pl.ds(base, RPT)])
        plsc.subcore_barrier()

        def _group(g, c):
            pltpu.async_copy(table_hbm.at[src_v.at[g]], rows_v, sem0).wait()
            pltpu.sync_copy(rows_v, acc_sh.at[dst_v.at[g]], add=True)
            if with_deg:
                own = (cid == 0) == (g < eb // 2)
                @pl.when(own)
                def _deg():
                    pltpu.sync_copy(ones_v, deg_sh.at[dst_v.at[g]], add=True)
            return c
        lax.fori_loop(0, eb, _group, 0)
        plsc.subcore_barrier()

        sl = pl.ds(base, RPT)
        pltpu.sync_copy(acc_sh.at[sl], acc_out.at[cid, sl])
        if with_deg:
            pltpu.sync_copy(deg_sh.at[pl.ds(base, RPT)], dvec_v)
            pltpu.sync_copy(dvec_v, deg_out.at[cid, pl.ds(base, RPT)])

    out_type = [jax.ShapeDtypeStruct((NC, NP, d), jnp.float32)]
    if with_deg:
        out_type.append(jax.ShapeDtypeStruct((NC, NP), jnp.float32))
    sc = [
        pltpu.VMEM((eb, k), jnp.int32),
        pltpu.VMEM((eb, k), jnp.int32),
        pltpu.VMEM((k, d), jnp.float32),
        pltpu.VMEM((ZB, d), jnp.float32),
    ]
    if with_deg:
        sc += [
            pltpu.VMEM((k,), jnp.float32),
            pltpu.VMEM((RPT,), jnp.float32),
        ]
    sc += [pltpu.VMEM_SHARED((NP, d), jnp.float32)]
    if with_deg:
        sc += [pltpu.VMEM_SHARED((NP,), jnp.float32)]
    sc += [pltpu.SemaphoreType.DMA]
    return pl.kernel(
        body,
        out_type=tuple(out_type) if with_deg else out_type[0],
        mesh=mesh,
        scratch_types=sc,
        compiler_params=pltpu.CompilerParams(use_tc_tiling_on_sc=False),
    )


def _tc_layer1(x_in, acc, deg_t, W1_l, W1_r, b1, W2_lp, W2_rp):
    br = 1000
    grid = (N // br,)

    def body(acc_ref, deg_ref, x_ref, wl_ref, wr_ref, b1_ref, w2l_ref,
             w2r_ref, p_ref, q_ref):
        deg = deg_ref[:, 0:1] + deg_ref[:, 1:2]
        inv = 1.0 / jnp.maximum(deg, 1.0)
        agg = jnp.concatenate([acc_ref[0], acc_ref[1]], axis=1) * inv
        h = jnp.dot(agg, wl_ref[...], preferred_element_type=jnp.float32)
        h += jnp.dot(x_ref[...], wr_ref[...], preferred_element_type=jnp.float32)
        h += b1_ref[...]
        h = jnp.maximum(h, 0.0)
        p_ref[...] = jnp.dot(h, w2l_ref[...], preferred_element_type=jnp.float32)
        q_ref[...] = jnp.dot(h, w2r_ref[...], preferred_element_type=jnp.float32)

    return pl.pallas_call(
        body,
        grid=grid,
        in_specs=[
            pl.BlockSpec((NC, br, DH), lambda i: (0, i, 0)),
            pl.BlockSpec((br, NC), lambda i: (i, 0)),
            pl.BlockSpec((br, D), lambda i: (i, 0)),
            pl.BlockSpec((D, D), lambda i: (0, 0)),
            pl.BlockSpec((D, D), lambda i: (0, 0)),
            pl.BlockSpec((1, D), lambda i: (0, 0)),
            pl.BlockSpec((D, D2), lambda i: (0, 0)),
            pl.BlockSpec((D, D2), lambda i: (0, 0)),
        ],
        out_specs=[
            pl.BlockSpec((br, D2), lambda i: (i, 0)),
            pl.BlockSpec((br, D2), lambda i: (i, 0)),
        ],
        out_shape=[
            jax.ShapeDtypeStruct((N, D2), jnp.float32),
            jax.ShapeDtypeStruct((N, D2), jnp.float32),
        ],
    )(acc, deg_t, x_in, W1_l, W1_r, b1, W2_lp, W2_rp)


def _tc_combine(acc2, deg_t, q, b2p):
    br = 1000
    grid = (N // br,)

    def body(acc_ref, deg_ref, q_ref, b2_ref, o_ref):
        deg = deg_ref[:, 0:1] + deg_ref[:, 1:2]
        inv = 1.0 / jnp.maximum(deg, 1.0)
        o_ref[...] = (acc_ref[0] + acc_ref[1]) * inv + q_ref[...] + b2_ref[...]

    return pl.pallas_call(
        body,
        grid=grid,
        in_specs=[
            pl.BlockSpec((NC, br, D2), lambda i: (0, i, 0)),
            pl.BlockSpec((br, NC), lambda i: (i, 0)),
            pl.BlockSpec((br, D2), lambda i: (i, 0)),
            pl.BlockSpec((1, D2), lambda i: (0, 0)),
        ],
        out_specs=pl.BlockSpec((br, D2), lambda i: (i, 0)),
        out_shape=jax.ShapeDtypeStruct((N, D2), jnp.float32),
    )(acc2, deg_t, q, b2p)


def kernel(x, edge_index, W1_l, W1_r, b1, W2_l, W2_r, b2):
    e = edge_index.shape[1]
    ka, kc = K, KC
    quantum = NW * max(ka, kc)
    epad = ((e + quantum - 1) // quantum) * quantum
    eb_a = epad // (NS * ka)
    eb_c = epad // (NW * kc)
    npad_e = epad - e

    src = edge_index[0].astype(jnp.int32)
    dst = edge_index[1].astype(jnp.int32)
    pad_i = jnp.arange(npad_e, dtype=jnp.int32)
    src_p = jnp.concatenate([src, pad_i % N])
    dst_p = jnp.concatenate([dst, N + pad_i % (NP - N)])

    src_a0 = src_p.reshape(NS, eb_a, ka)
    src_a = jnp.concatenate([src_a0, src_a0 + NP], axis=0)
    dst_a = dst_p.reshape(NS, eb_a, ka)
    src_c = src_p.reshape(NW, eb_c, kc)
    dst_c = dst_p.reshape(NW, eb_c, kc)

    x2 = (jnp.zeros((2 * NP, DH), jnp.float32)
          .at[:N].set(x[:, :DH]).at[NP:NP + N].set(x[:, DH:]))
    w2l_p = jnp.zeros((D, D2), jnp.float32).at[:, :2].set(W2_l)
    w2r_p = jnp.zeros((D, D2), jnp.float32).at[:, :2].set(W2_r)
    b2_p = jnp.zeros((1, D2), jnp.float32).at[0, :2].set(b2)
    b1_r = b1.reshape(1, D)

    agg_l1 = _make_sc_agg(DH, feat_split=True, with_deg=True, eb=eb_a, k=ka)
    agg_l2 = _make_sc_agg(D2, feat_split=False, with_deg=False, eb=eb_c, k=kc)

    acc1, deg = agg_l1(x2, src_a, dst_a)
    deg_t = deg.T
    p, q = _tc_layer1(x, acc1, deg_t, W1_l, W1_r, b1_r, w2l_p, w2r_p)
    acc2 = agg_l2(p, src_c, dst_c)
    out = _tc_combine(acc2, deg_t, q, b2_p)
    return out[:, :2]

# --- scband reference (transcript-rebuilt; emitter-appended) ---
"""Pipeline reference for scband-graph-sage-79852031967993 (READ-ONLY COPY).

The authoritative reference and input builder live on the scoring server;
editing this copy changes nothing except your own understanding.
"""

import jax, jax.numpy as jnp
import numpy as np

N_NODES = 10000
N_EDGES = 320000
IN_DIM = 128
HID_DIM = 128
OUT_DIM = 2


def _sage_conv(x, edge_index, W_l, W_r, b):
    # PyG-style SAGEConv with mean aggregation:
    # out_i = W_l @ mean_{j in N(i)} x_j + W_r @ x_i + b
    src = edge_index[0]
    dst = edge_index[1]
    msgs = jnp.take(x, src, axis=0)
    agg = jax.ops.segment_sum(msgs, dst, num_segments=x.shape[0])
    deg = jax.ops.segment_sum(jnp.ones((src.shape[0],), dtype=x.dtype), dst, num_segments=x.shape[0])
    agg = agg / jnp.maximum(deg, 1.0)[:, None]
    return agg @ W_l + x @ W_r + b


def setup_inputs(seed: int = 0) -> dict:
    key = jax.random.key(seed)
    ks = jax.random.split(key, 8)
    x = jax.random.normal(ks[0], (N_NODES, IN_DIM), dtype=jnp.float32)
    edge_index = jax.random.randint(ks[1], (2, N_EDGES), 0, N_NODES, dtype=jnp.int64)
    s1 = 1.0 / np.sqrt(IN_DIM)
    s2 = 1.0 / np.sqrt(HID_DIM)
    W1_l = jax.random.uniform(ks[2], (IN_DIM, HID_DIM), jnp.float32, -s1, s1)
    W1_r = jax.random.uniform(ks[3], (IN_DIM, HID_DIM), jnp.float32, -s1, s1)
    b1 = jnp.zeros((HID_DIM,), dtype=jnp.float32)
    W2_l = jax.random.uniform(ks[4], (HID_DIM, OUT_DIM), jnp.float32, -s2, s2)
    W2_r = jax.random.uniform(ks[5], (HID_DIM, OUT_DIM), jnp.float32, -s2, s2)
    b2 = jnp.zeros((OUT_DIM,), dtype=jnp.float32)
    return {"x": x, "edge_index": edge_index, "W1_l": W1_l, "W1_r": W1_r, "b1": b1, "W2_l": W2_l, "W2_r": W2_r, "b2": b2}


def reference(x, edge_index, W1_l, W1_r, b1, W2_l, W2_r, b2):
    h = _sage_conv(x, edge_index, W1_l, W1_r, b1)
    h = jax.nn.relu(h)
    # dropout is identity in eval mode
    h = _sage_conv(h, edge_index, W2_l, W2_r, b2)
    return h

if __name__ == "__main__":
    import jax
    _d = setup_inputs()
    print(jax.jit(kernel)(*tuple(_d.values())))

</pallas_src>

<mosaic_0001>
#map = affine_map<(d0, d1) -> (0, 0)>
#map1 = affine_map<(d0, d1) -> (0, 0, 0)>
module attributes {stable_mosaic.version = 14 : i64} {
  func.func @body(%arg0: i32, %arg1: i32, %arg2: memref<10000x16xf32, #tpu.memory_space<hbm>>, %arg3: memref<32x10x1024xi32, #tpu.memory_space<hbm>>, %arg4: memref<32x10x1024xi32, #tpu.memory_space<hbm>>, %arg5: memref<2x10240x16xf32, #tpu.memory_space<hbm>>, %arg6: memref<10x1024xi32, #tpu.memory_space<vmem>>, %arg7: memref<10x1024xi32, #tpu.memory_space<vmem>>, %arg8: memref<1024x16xf32, #tpu.memory_space<vmem>>, %arg9: memref<64x16xf32, #tpu.memory_space<vmem>>, %arg10: memref<10240x16xf32, #tpu.memory_space<vmem_shared>>, %arg11: memref<!tpu.dma_semaphore, #tpu.memory_space<semaphore_mem>>) attributes {dimension_semantics = [#tpu.dimension_semantics<core_parallel>, #tpu.dimension_semantics<subcore_parallel>], iteration_bounds = array<i64: 2, 16>, scalar_prefetch = 0 : i64, scratch_operands = 6 : i64, tpu.core_type = #tpu.core_type<sc_vector_subcore>, window_params = [{transform_indices = #map}, {transform_indices = #map1}, {transform_indices = #map1}, {transform_indices = #map1}]} {
    %broadcast_in_dim3A = arith.constant 0.000000e+00 : f32
    %broadcast_in_dim3A_0 = vector.broadcast %broadcast_in_dim3A : f32 to vector<16xf32>
    %broadcast_in_dim3A_1 = arith.constant 1.000000e+00 : f32
    %broadcast_in_dim3A_2 = vector.broadcast %broadcast_in_dim3A_1 : f32 to vector<16xf32>
    %mul3A = arith.constant 2 : i32
    %mul3A_3 = arith.muli %arg1, %mul3A : i32
    %add3A = arith.addi %mul3A_3, %arg0 : i32
    "tpu.region"() ({
      %run_scoped3A = tpu.sem_alloc : memref<!tpu.dma_semaphore, #tpu.memory_space<semaphore_mem>>
      %dma_start3A = arith.constant 0 : i32
      %dma_start3A_24 = arith.constant 0 : i32
      %dma_start3A_25 = tpu.memref_slice %arg3[%add3A, %dma_start3A, %dma_start3A_24] : memref<32x10x1024xi32, #tpu.memory_space<hbm>> -> memref<1x10x1024xi32, #tpu.memory_space<hbm>>
      %dma_start3A_26 = tpu.memref_squeeze %dma_start3A_25 : memref<1x10x1024xi32, #tpu.memory_space<hbm>> -> memref<10x1024xi32, #tpu.memory_space<hbm>>
      %dma_start3A_27 = arith.constant 0 : i32
      %dma_start3A_28 = arith.constant 0 : i32
      %dma_start3A_29 = tpu.memref_slice %arg3[%add3A, %dma_start3A_27, %dma_start3A_28] : memref<32x10x1024xi32, #tpu.memory_space<hbm>> -> memref<1x10x1024xi32, #tpu.memory_space<hbm>>
      %dma_start3A_30 = tpu.memref_squeeze %dma_start3A_29 : memref<1x10x1024xi32, #tpu.memory_space<hbm>> -> memref<10x1024xi32, #tpu.memory_space<hbm>>
      tpu.enqueue_dma source(%dma_start3A_30 : memref<10x1024xi32, #tpu.memory_space<hbm>>) target(%arg6 : memref<10x1024xi32, #tpu.memory_space<vmem>>) target_semaphore(%run_scoped3A : memref<!tpu.dma_semaphore, #tpu.memory_space<semaphore_mem>>)
      %dma_wait3A = arith.constant 0 : i32
      %dma_wait3A_31 = arith.constant 0 : i32
      %dma_wait3A_32 = tpu.memref_slice %arg3[%add3A, %dma_wait3A, %dma_wait3A_31] : memref<32x10x1024xi32, #tpu.memory_space<hbm>> -> memref<1x10x1024xi32, #tpu.memory_space<hbm>>
      %dma_wait3A_33 = tpu.memref_squeeze %dma_wait3A_32 : memref<1x10x1024xi32, #tpu.memory_space<hbm>> -> memref<10x1024xi32, #tpu.memory_space<hbm>>
      %dma_wait3A_34 = arith.constant 0 : i32
      %dma_wait3A_35 = arith.constant 0 : i32
      %dma_wait3A_36 = tpu.memref_slice %arg3[%add3A, %dma_wait3A_34, %dma_wait3A_35] : memref<32x10x1024xi32, #tpu.memory_space<hbm>> -> memref<1x10x1024xi32, #tpu.memory_space<hbm>>
      %dma_wait3A_37 = tpu.memref_squeeze %dma_wait3A_36 : memref<1x10x1024xi32, #tpu.memory_space<hbm>> -> memref<10x1024xi32, #tpu.memory_space<hbm>>
      tpu.wait_dma2 semaphore(%run_scoped3A : memref<!tpu.dma_semaphore, #tpu.memory_space<semaphore_mem>>) src(%dma_wait3A_37 : memref<10x1024xi32, #tpu.memory_space<hbm>>) dst(%arg6 : memref<10x1024xi32, #tpu.memory_space<vmem>>)
      tpu.yield
    }) : () -> ()
    "tpu.region"() ({
      %run_scoped3A = tpu.sem_alloc : memref<!tpu.dma_semaphore, #tpu.memory_space<semaphore_mem>>
      %dma_start3A = arith.constant 0 : i32
      %dma_start3A_24 = arith.constant 0 : i32
      %dma_start3A_25 = tpu.memref_slice %arg4[%add3A, %dma_start3A, %dma_start3A_24] : memref<32x10x1024xi32, #tpu.memory_space<hbm>> -> memref<1x10x1024xi32, #tpu.memory_space<hbm>>
      %dma_start3A_26 = tpu.memref_squeeze %dma_start3A_25 : memref<1x10x1024xi32, #tpu.memory_space<hbm>> -> memref<10x1024xi32, #tpu.memory_space<hbm>>
      %dma_start3A_27 = arith.constant 0 : i32
      %dma_start3A_28 = arith.constant 0 : i32
      %dma_start3A_29 = tpu.memref_slice %arg4[%add3A, %dma_start3A_27, %dma_start3A_28] : memref<32x10x1024xi32, #tpu.memory_space<hbm>> -> memref<1x10x1024xi32, #tpu.memory_space<hbm>>
      %dma_start3A_30 = tpu.memref_squeeze %dma_start3A_29 : memref<1x10x1024xi32, #tpu.memory_space<hbm>> -> memref<10x1024xi32, #tpu.memory_space<hbm>>
      tpu.enqueue_dma source(%dma_start3A_30 : memref<10x1024xi32, #tpu.memory_space<hbm>>) target(%arg7 : memref<10x1024xi32, #tpu.memory_space<vmem>>) target_semaphore(%run_scoped3A : memref<!tpu.dma_semaphore, #tpu.memory_space<semaphore_mem>>)
      %dma_wait3A = arith.constant 0 : i32
      %dma_wait3A_31 = arith.constant 0 : i32
      %dma_wait3A_32 = tpu.memref_slice %arg4[%add3A, %dma_wait3A, %dma_wait3A_31] : memref<32x10x1024xi32, #tpu.memory_space<hbm>> -> memref<1x10x1024xi32, #tpu.memory_space<hbm>>
      %dma_wait3A_33 = tpu.memref_squeeze %dma_wait3A_32 : memref<1x10x1024xi32, #tpu.memory_space<hbm>> -> memref<10x1024xi32, #tpu.memory_space<hbm>>
      %dma_wait3A_34 = arith.constant 0 : i32
      %dma_wait3A_35 = arith.constant 0 : i32
      %dma_wait3A_36 = tpu.memref_slice %arg4[%add3A, %dma_wait3A_34, %dma_wait3A_35] : memref<32x10x1024xi32, #tpu.memory_space<hbm>> -> memref<1x10x1024xi32, #tpu.memory_space<hbm>>
      %dma_wait3A_37 = tpu.memref_squeeze %dma_wait3A_36 : memref<1x10x1024xi32, #tpu.memory_space<hbm>> -> memref<10x1024xi32, #tpu.memory_space<hbm>>
      tpu.wait_dma2 semaphore(%run_scoped3A : memref<!tpu.dma_semaphore, #tpu.memory_space<semaphore_mem>>) src(%dma_wait3A_37 : memref<10x1024xi32, #tpu.memory_space<hbm>>) dst(%arg7 : memref<10x1024xi32, #tpu.memory_space<vmem>>)
      tpu.yield
    }) : () -> ()
    %scan3A = arith.constant 0 : i32
    %scan3A_4 = arith.constant 0 : i32
    %scan3A_5 = arith.constant 64 : i32
    %scan3A_6 = arith.addi %scan3A_4, %scan3A_5 : i32
    %scan3A_7 = arith.constant 1 : i32
    scf.for %scan3A_24 = %scan3A_4 to %scan3A_6 step %scan3A_7  : i32 {
      %jit3A = arith.constant 1 : i32
      %div3A = arith.divsi %scan3A_24, %jit3A : i32
      %sign3A = arith.constant 0 : i32
      %sign3A_25 = arith.cmpi sgt, %scan3A_24, %sign3A : i32
      %sign3A_26 = arith.extui %sign3A_25 : i1 to i32
      %sign3A_27 = arith.constant 0 : i32
      %sign3A_28 = arith.cmpi slt, %scan3A_24, %sign3A_27 : i32
      %sign3A_29 = arith.extui %sign3A_28 : i1 to i32
      %sign3A_30 = arith.subi %sign3A_26, %sign3A_29 : i32
      %sign3A_31 = arith.constant 0 : i32
      %sign3A_32 = arith.cmpi sgt, %jit3A, %sign3A_31 : i32
      %sign3A_33 = arith.extui %sign3A_32 : i1 to i32
      %sign3A_34 = arith.constant 0 : i32
      %sign3A_35 = arith.cmpi slt, %jit3A, %sign3A_34 : i32
      %sign3A_36 = arith.extui %sign3A_35 : i1 to i32
      %sign3A_37 = arith.subi %sign3A_33, %sign3A_36 : i32
      %ne3A = arith.cmpi ne, %sign3A_30, %sign3A_37 : i32
      %rem3A = arith.remsi %scan3A_24, %jit3A : i32
      %ne3A_38 = arith.constant 0 : i32
      %ne3A_39 = arith.cmpi ne, %rem3A, %ne3A_38 : i32
      %and3A = arith.andi %ne3A, %ne3A_39 : i1
      %sub3A = arith.constant 1 : i32
      %sub3A_40 = arith.subi %div3A, %sub3A : i32
      %select_n3A = arith.select %and3A, %sub3A_40, %div3A : i32
      %jit3A_41 = arith.constant 1 : i32
      %eq3A = arith.constant 0 : i32
      %eq3A_42 = arith.cmpi eq, %jit3A_41, %eq3A : i32
      %jit3A_43 = arith.constant 1 : i32
      %select_n3A_44 = arith.select %eq3A_42, %jit3A_43, %jit3A_41 : i32
      %rem3A_45 = arith.remsi %scan3A_24, %select_n3A_44 : i32
      %ne3A_46 = arith.constant 0 : i32
      %ne3A_47 = arith.cmpi ne, %rem3A_45, %ne3A_46 : i32
      %lt3A = arith.constant 0 : i32
      %lt3A_48 = arith.cmpi slt, %rem3A_45, %lt3A : i32
      %lt3A_49 = arith.constant 0 : i32
      %lt3A_50 = arith.cmpi slt, %select_n3A_44, %lt3A_49 : i32
      %ne3A_51 = arith.xori %lt3A_48, %lt3A_50 : i1
      %and3A_52 = arith.andi %ne3A_51, %ne3A_47 : i1
      %add3A_53 = arith.addi %rem3A_45, %select_n3A_44 : i32
      %select_n3A_54 = arith.select %and3A_52, %add3A_53, %rem3A_45 : i32
      %mul3A_55 = arith.constant 16 : i32
      %mul3A_56 = arith.muli %select_n3A_54, %mul3A_55 : i32
      %swap3A = arith.index_cast %select_n3A : i32 to index
      %swap3A_57 = arith.index_cast %mul3A_56 : i32 to index
      %swap3A_58 = tpu.vector_load %arg9[%swap3A, %swap3A_57] {strides = array<i32>} : memref<64x16xf32, #tpu.memory_space<vmem>>, vector<1x16xf32>,
      %swap3A_59 = vector.shape_cast %swap3A_58 : vector<1x16xf32> to vector<16xf32>
      %swap3A_60 = vector.shape_cast %broadcast_in_dim3A_0 : vector<16xf32> to vector<1x16xf32>
      tpu.vector_store %arg9[%swap3A, %swap3A_57], %swap3A_60 {strides = array<i32>} : memref<64x16xf32, #tpu.memory_space<vmem>>, vector<1x16xf32>,
    }
    %scan3A_8 = arith.constant 64 : i32
    %mul3A_9 = arith.constant 640 : i32
    %mul3A_10 = arith.muli %arg1, %mul3A_9 : i32
    %scan3A_11 = arith.constant 0 : i32
    %scan3A_12 = arith.constant 0 : i32
    %scan3A_13 = arith.constant 10 : i32
    %scan3A_14 = arith.addi %scan3A_12, %scan3A_13 : i32
    %scan3A_15 = arith.constant 1 : i32
    scf.for %scan3A_24 = %scan3A_12 to %scan3A_14 step %scan3A_15  : i32 {
      %mul3A_25 = arith.constant 64 : i32
      %mul3A_26 = arith.muli %scan3A_24, %mul3A_25 : i32
      %add3A_27 = arith.addi %mul3A_10, %mul3A_26 : i32
      "tpu.region"() ({
        %run_scoped3A = tpu.sem_alloc : memref<!tpu.dma_semaphore, #tpu.memory_space<semaphore_mem>>
        %dma_start3A = arith.constant 0 : i32
        %dma_start3A_28 = tpu.memref_slice %arg10[%add3A_27, %dma_start3A] : memref<10240x16xf32, #tpu.memory_space<vmem_shared>> -> memref<64x16xf32, #tpu.memory_space<vmem_shared>>
        %dma_start3A_29 = arith.constant 0 : i32
        %dma_start3A_30 = tpu.memref_slice %arg10[%add3A_27, %dma_start3A_29] : memref<10240x16xf32, #tpu.memory_space<vmem_shared>> -> memref<64x16xf32, #tpu.memory_space<vmem_shared>>
        tpu.enqueue_dma source(%arg9 : memref<64x16xf32, #tpu.memory_space<vmem>>) target(%dma_start3A_30 : memref<64x16xf32, #tpu.memory_space<vmem_shared>>) target_semaphore(%run_scoped3A : memref<!tpu.dma_semaphore, #tpu.memory_space<semaphore_mem>>)
        %dma_wait3A = arith.constant 0 : i32
        %dma_wait3A_31 = tpu.memref_slice %arg10[%add3A_27, %dma_wait3A] : memref<10240x16xf32, #tpu.memory_space<vmem_shared>> -> memref<64x16xf32, #tpu.memory_space<vmem_shared>>
        %dma_wait3A_32 = arith.constant 0 : i32
        %dma_wait3A_33 = tpu.memref_slice %arg10[%add3A_27, %dma_wait3A_32] : memref<10240x16xf32, #tpu.memory_space<vmem_shared>> -> memref<64x16xf32, #tpu.memory_space<vmem_shared>>
        tpu.wait_dma2 semaphore(%run_scoped3A : memref<!tpu.dma_semaphore, #tpu.memory_space<semaphore_mem>>) src(%arg9 : memref<64x16xf32, #tpu.memory_space<vmem>>) dst(%dma_wait3A_33 : memref<64x16xf32, #tpu.memory_space<vmem_shared>>)
        tpu.yield
      }) : () -> ()
    }
    %scan3A_16 = arith.constant 10 : i32
    %barrier3A = arith.constant 0 : index
    tpu.barrier barrier_id(%barrier3A)
    %scan3A_17 = arith.constant 0 : i32
    %scan3A_18 = arith.constant 0 : i32
    %scan3A_19 = arith.constant 10 : i32
    %scan3A_20 = arith.addi %scan3A_18, %scan3A_19 : i32
    %scan3A_21 = arith.constant 1 : i32
    scf.for %scan3A_24 = %scan3A_18 to %scan3A_20 step %scan3A_21  : i32 {
      %dma_start3A = arith.constant 0 : i32
      %dma_start3A_25 = tpu.memref_slice %arg6[%scan3A_24, %dma_start3A] : memref<10x1024xi32, #tpu.memory_space<vmem>> -> memref<1x1024xi32, #tpu.memory_space<vmem>>
      %dma_start3A_26 = tpu.memref_squeeze %dma_start3A_25 : memref<1x1024xi32, #tpu.memory_space<vmem>> -> memref<1024xi32, #tpu.memory_space<vmem>>
      %dma_start3A_27 = arith.constant 0 : i32
      %dma_start3A_28 = arith.constant 0 : i32
      %dma_start3A_29 = tpu.memref_slice %arg2[%dma_start3A_27, %dma_start3A_28] : memref<10000x16xf32, #tpu.memory_space<hbm>> -> memref<10000x16xf32, #tpu.memory_space<hbm>>
      tpu.enqueue_indirect_dma source(%dma_start3A_29 : memref<10000x16xf32, #tpu.memory_space<hbm>>) target(%arg8 : memref<1024x16xf32, #tpu.memory_space<vmem>>) offsets(%dma_start3A_26 : memref<1024xi32, #tpu.memory_space<vmem>>) semaphore(%arg11 : memref<!tpu.dma_semaphore, #tpu.memory_space<semaphore_mem>>)
      %dma_wait3A = arith.constant 0 : i32
      %dma_wait3A_30 = tpu.memref_slice %arg6[%scan3A_24, %dma_wait3A] : memref<10x1024xi32, #tpu.memory_space<vmem>> -> memref<1x1024xi32, #tpu.memory_space<vmem>>
      %dma_wait3A_31 = tpu.memref_squeeze %dma_wait3A_30 : memref<1x1024xi32, #tpu.memory_space<vmem>> -> memref<1024xi32, #tpu.memory_space<vmem>>
      %dma_wait3A_32 = arith.constant 0 : i32
      %dma_wait3A_33 = arith.constant 0 : i32
      %dma_wait3A_34 = tpu.memref_slice %arg2[%dma_wait3A_32, %dma_wait3A_33] : memref<10000x16xf32, #tpu.memory_space<hbm>> -> memref<10000x16xf32, #tpu.memory_space<hbm>>
      tpu.wait_indirect_dma semaphore(%arg11 : memref<!tpu.dma_semaphore, #tpu.memory_space<semaphore_mem>>) src(%dma_wait3A_34 : memref<10000x16xf32, #tpu.memory_space<hbm>>) dst(%arg8 : memref<1024x16xf32, #tpu.memory_space<vmem>>)
      "tpu.region"() ({
        %run_scoped3A = tpu.sem_alloc : memref<!tpu.dma_semaphore, #tpu.memory_space<semaphore_mem>>
        %dma_start3A_35 = arith.constant 0 : i32
        %dma_start3A_36 = tpu.memref_slice %arg7[%scan3A_24, %dma_start3A_35] : memref<10x1024xi32, #tpu.memory_space<vmem>> -> memref<1x1024xi32, #tpu.memory_space<vmem>>
        %dma_start3A_37 = tpu.memref_squeeze %dma_start3A_36 : memref<1x1024xi32, #tpu.memory_space<vmem>> -> memref<1024xi32, #tpu.memory_space<vmem>>
        %dma_start3A_38 = arith.constant 0 : i32
        %dma_start3A_39 = arith.constant 0 : i32
        %dma_start3A_40 = tpu.memref_slice %arg10[%dma_start3A_38, %dma_start3A_39] : memref<10240x16xf32, #tpu.memory_space<vmem_shared>> -> memref<10240x16xf32, #tpu.memory_space<vmem_shared>>
        tpu.enqueue_indirect_dma source(%arg8 : memref<1024x16xf32, #tpu.memory_space<vmem>>) target(%dma_start3A_40 : memref<10240x16xf32, #tpu.memory_space<vmem_shared>>) offsets(%dma_start3A_37 : memref<1024xi32, #tpu.memory_space<vmem>>) semaphore(%run_scoped3A : memref<!tpu.dma_semaphore, #tpu.memory_space<semaphore_mem>>) {add = true}
        %dma_wait3A_41 = arith.constant 0 : i32
        %dma_wait3A_42 = tpu.memref_slice %arg7[%scan3A_24, %dma_wait3A_41] : memref<10x1024xi32, #tpu.memory_space<vmem>> -> memref<1x1024xi32, #tpu.memory_space<vmem>>
        %dma_wait3A_43 = tpu.memref_squeeze %dma_wait3A_42 : memref<1x1024xi32, #tpu.memory_space<vmem>> -> memref<1024xi32, #tpu.memory_space<vmem>>
        %dma_wait3A_44 = arith.constant 0 : i32
        %dma_wait3A_45 = arith.constant 0 : i32
        %dma_wait3A_46 = tpu.memref_slice %arg10[%dma_wait3A_44, %dma_wait3A_45] : memref<10240x16xf32, #tpu.memory_space<vmem_shared>> -> memref<10240x16xf32, #tpu.memory_space<vmem_shared>>
        tpu.wait_indirect_dma semaphore(%run_scoped3A : memref<!tpu.dma_semaphore, #tpu.memory_space<semaphore_mem>>) src(%arg8 : memref<1024x16xf32, #tpu.memory_space<vmem>>) dst(%dma_wait3A_46 : memref<10240x16xf32, #tpu.memory_space<vmem_shared>>)
        tpu.yield
      }) : () -> ()
    }
    %scan3A_22 = arith.constant 10 : i32
    %barrier3A_23 = arith.constant 0 : index
    tpu.barrier barrier_id(%barrier3A_23)
    "tpu.region"() ({
      %run_scoped3A = tpu.sem_alloc : memref<!tpu.dma_semaphore, #tpu.memory_space<semaphore_mem>>
      %dma_start3A = arith.constant 0 : i32
      %dma_start3A_24 = tpu.memref_slice %arg5[%arg0, %mul3A_10, %dma_start3A] : memref<2x10240x16xf32, #tpu.memory_space<hbm>> -> memref<1x640x16xf32, #tpu.memory_space<hbm>>
      %dma_start3A_25 = tpu.memref_squeeze %dma_start3A_24 : memref<1x640x16xf32, #tpu.memory_space<hbm>> -> memref<640x16xf32, #tpu.memory_space<hbm>>
      %dma_start3A_26 = arith.constant 0 : i32
      %dma_start3A_27 = tpu.memref_slice %arg10[%mul3A_10, %dma_start3A_26] : memref<10240x16xf32, #tpu.memory_space<vmem_shared>> -> memref<640x16xf32, #tpu.memory_space<vmem_shared>>
      tpu.enqueue_dma source(%dma_start3A_27 : memref<640x16xf32, #tpu.memory_space<vmem_shared>>) target(%dma_start3A_25 : memref<640x16xf32, #tpu.memory_space<hbm>>) target_semaphore(%run_scoped3A : memref<!tpu.dma_semaphore, #tpu.memory_space<semaphore_mem>>)
      %dma_wait3A = arith.constant 0 : i32
      %dma_wait3A_28 = tpu.memref_slice %arg5[%arg0, %mul3A_10, %dma_wait3A] : memref<2x10240x16xf32, #tpu.memory_space<hbm>> -> memref<1x640x16xf32, #tpu.memory_space<hbm>>
      %dma_wait3A_29 = tpu.memref_squeeze %dma_wait3A_28 : memref<1x640x16xf32, #tpu.memory_space<hbm>> -> memref<640x16xf32, #tpu.memory_space<hbm>>
      %dma_wait3A_30 = arith.constant 0 : i32
      %dma_wait3A_31 = tpu.memref_slice %arg10[%mul3A_10, %dma_wait3A_30] : memref<10240x16xf32, #tpu.memory_space<vmem_shared>> -> memref<640x16xf32, #tpu.memory_space<vmem_shared>>
      tpu.wait_dma2 semaphore(%run_scoped3A : memref<!tpu.dma_semaphore, #tpu.memory_space<semaphore_mem>>) src(%dma_wait3A_31 : memref<640x16xf32, #tpu.memory_space<vmem_shared>>) dst(%dma_wait3A_29 : memref<640x16xf32, #tpu.memory_space<hbm>>)
      tpu.yield
    }) : () -> ()
    return
  }
}

#map = affine_map<(d0, d1) -> (0, 0)>
#map1 = affine_map<(d0, d1) -> (0, 0, 0)>
module attributes {stable_mosaic.version = 14 : i64} {
  func.func @body(%arg0: i32, %arg1: i32, %arg2: memref<20480x64xf32, #tpu.memory_space<hbm>>, %arg3: memref<32x32x640xi32, #tpu.memory_space<hbm>>, %arg4: memref<16x32x640xi32, #tpu.memory_space<hbm>>, %arg5: memref<2x10240x64xf32, #tpu.memory_space<hbm>>, %arg6: memref<2x10240xf32, #tpu.memory_space<hbm>>, %arg7: memref<32x640xi32, #tpu.memory_space<vmem>>, %arg8: memref<32x640xi32, #tpu.memory_space<vmem>>, %arg9: memref<640x64xf32, #tpu.memory_space<vmem>>, %arg10: memref<64x64xf32, #tpu.memory_space<vmem>>, %arg11: memref<640xf32, #tpu.memory_space<vmem>>, %arg12: memref<640xf32, #tpu.memory_space<vmem>>, %arg13: memref<10240x64xf32, #tpu.memory_space<vmem_shared>>, %arg14: memref<10240xf32, #tpu.memory_space<vmem_shared>>, %arg15: memref<!tpu.dma_semaphore, #tpu.memory_space<semaphore_mem>>) attributes {dimension_semantics = [#tpu.dimension_semantics<core_parallel>, #tpu.dimension_semantics<subcore_parallel>], iteration_bounds = array<i64: 2, 16>, scalar_prefetch = 0 : i64, scratch_operands = 9 : i64, tpu.core_type = #tpu.core_type<sc_vector_subcore>, window_params = [{transform_indices = #map}, {transform_indices = #map1}, {transform_indices = #map1}, {transform_indices = #map1}, {transform_indices = #map}]} {
    %broadcast_in_dim3A = arith.constant 0.000000e+00 : f32
    %broadcast_in_dim3A_0 = vector.broadcast %broadcast_in_dim3A : f32 to vector<16xf32>
    %broadcast_in_dim3A_1 = arith.constant 1.000000e+00 : f32
    %broadcast_in_dim3A_2 = vector.broadcast %broadcast_in_dim3A_1 : f32 to vector<16xf32>
    %mul3A = arith.constant 16 : i32
    %mul3A_3 = arith.muli %arg0, %mul3A : i32
    %add3A = arith.addi %mul3A_3, %arg1 : i32
    "tpu.region"() ({
      %run_scoped3A = tpu.sem_alloc : memref<!tpu.dma_semaphore, #tpu.memory_space<semaphore_mem>>
      %dma_start3A = arith.constant 0 : i32
      %dma_start3A_36 = arith.constant 0 : i32
      %dma_start3A_37 = tpu.memref_slice %arg3[%add3A, %dma_start3A, %dma_start3A_36] : memref<32x32x640xi32, #tpu.memory_space<hbm>> -> memref<1x32x640xi32, #tpu.memory_space<hbm>>
      %dma_start3A_38 = tpu.memref_squeeze %dma_start3A_37 : memref<1x32x640xi32, #tpu.memory_space<hbm>> -> memref<32x640xi32, #tpu.memory_space<hbm>>
      %dma_start3A_39 = arith.constant 0 : i32
      %dma_start3A_40 = arith.constant 0 : i32
      %dma_start3A_41 = tpu.memref_slice %arg3[%add3A, %dma_start3A_39, %dma_start3A_40] : memref<32x32x640xi32, #tpu.memory_space<hbm>> -> memref<1x32x640xi32, #tpu.memory_space<hbm>>
      %dma_start3A_42 = tpu.memref_squeeze %dma_start3A_41 : memref<1x32x640xi32, #tpu.memory_space<hbm>> -> memref<32x640xi32, #tpu.memory_space<hbm>>
      tpu.enqueue_dma source(%dma_start3A_42 : memref<32x640xi32, #tpu.memory_space<hbm>>) target(%arg7 : memref<32x640xi32, #tpu.memory_space<vmem>>) target_semaphore(%run_scoped3A : memref<!tpu.dma_semaphore, #tpu.memory_space<semaphore_mem>>)
      %dma_wait3A = arith.constant 0 : i32
      %dma_wait3A_43 = arith.constant 0 : i32
      %dma_wait3A_44 = tpu.memref_slice %arg3[%add3A, %dma_wait3A, %dma_wait3A_43] : memref<32x32x640xi32, #tpu.memory_space<hbm>> -> memref<1x32x640xi32, #tpu.memory_space<hbm>>
      %dma_wait3A_45 = tpu.memref_squeeze %dma_wait3A_44 : memref<1x32x640xi32, #tpu.memory_space<hbm>> -> memref<32x640xi32, #tpu.memory_space<hbm>>
      %dma_wait3A_46 = arith.constant 0 : i32
      %dma_wait3A_47 = arith.constant 0 : i32
      %dma_wait3A_48 = tpu.memref_slice %arg3[%add3A, %dma_wait3A_46, %dma_wait3A_47] : memref<32x32x640xi32, #tpu.memory_space<hbm>> -> memref<1x32x640xi32, #tpu.memory_space<hbm>>
      %dma_wait3A_49 = tpu.memref_squeeze %dma_wait3A_48 : memref<1x32x640xi32, #tpu.memory_space<hbm>> -> memref<32x640xi32, #tpu.memory_space<hbm>>
      tpu.wait_dma2 semaphore(%run_scoped3A : memref<!tpu.dma_semaphore, #tpu.memory_space<semaphore_mem>>) src(%dma_wait3A_49 : memref<32x640xi32, #tpu.memory_space<hbm>>) dst(%arg7 : memref<32x640xi32, #tpu.memory_space<vmem>>)
      tpu.yield
    }) : () -> ()
    "tpu.region"() ({
      %run_scoped3A = tpu.sem_alloc : memref<!tpu.dma_semaphore, #tpu.memory_space<semaphore_mem>>
      %dma_start3A = arith.constant 0 : i32
      %dma_start3A_36 = arith.constant 0 : i32
      %dma_start3A_37 = tpu.memref_slice %arg4[%arg1, %dma_start3A, %dma_start3A_36] : memref<16x32x640xi32, #tpu.memory_space<hbm>> -> memref<1x32x640xi32, #tpu.memory_space<hbm>>
      %dma_start3A_38 = tpu.memref_squeeze %dma_start3A_37 : memref<1x32x640xi32, #tpu.memory_space<hbm>> -> memref<32x640xi32, #tpu.memory_space<hbm>>
      %dma_start3A_39 = arith.constant 0 : i32
      %dma_start3A_40 = arith.constant 0 : i32
      %dma_start3A_41 = tpu.memref_slice %arg4[%arg1, %dma_start3A_39, %dma_start3A_40] : memref<16x32x640xi32, #tpu.memory_space<hbm>> -> memref<1x32x640xi32, #tpu.memory_space<hbm>>
      %dma_start3A_42 = tpu.memref_squeeze %dma_start3A_41 : memref<1x32x640xi32, #tpu.memory_space<hbm>> -> memref<32x640xi32, #tpu.memory_space<hbm>>
      tpu.enqueue_dma source(%dma_start3A_42 : memref<32x640xi32, #tpu.memory_space<hbm>>) target(%arg8 : memref<32x640xi32, #tpu.memory_space<vmem>>) target_semaphore(%run_scoped3A : memref<!tpu.dma_semaphore, #tpu.memory_space<semaphore_mem>>)
      %dma_wait3A = arith.constant 0 : i32
      %dma_wait3A_43 = arith.constant 0 : i32
      %dma_wait3A_44 = tpu.memref_slice %arg4[%arg1, %dma_wait3A, %dma_wait3A_43] : memref<16x32x640xi32, #tpu.memory_space<hbm>> -> memref<1x32x640xi32, #tpu.memory_space<hbm>>
      %dma_wait3A_45 = tpu.memref_squeeze %dma_wait3A_44 : memref<1x32x640xi32, #tpu.memory_space<hbm>> -> memref<32x640xi32, #tpu.memory_space<hbm>>
      %dma_wait3A_46 = arith.constant 0 : i32
      %dma_wait3A_47 = arith.constant 0 : i32
      %dma_wait3A_48 = tpu.memref_slice %arg4[%arg1, %dma_wait3A_46, %dma_wait3A_47] : memref<16x32x640xi32, #tpu.memory_space<hbm>> -> memref<1x32x640xi32, #tpu.memory_space<hbm>>
      %dma_wait3A_49 = tpu.memref_squeeze %dma_wait3A_48 : memref<1x32x640xi32, #tpu.memory_space<hbm>> -> memref<32x640xi32, #tpu.memory_space<hbm>>
      tpu.wait_dma2 semaphore(%run_scoped3A : memref<!tpu.dma_semaphore, #tpu.memory_space<semaphore_mem>>) src(%dma_wait3A_49 : memref<32x640xi32, #tpu.memory_space<hbm>>) dst(%arg8 : memref<32x640xi32, #tpu.memory_space<vmem>>)
      tpu.yield
    }) : () -> ()
    %scan3A = arith.constant 0 : i32
    %scan3A_4 = arith.constant 0 : i32
    %scan3A_5 = arith.constant 256 : i32
    %scan3A_6 = arith.addi %scan3A_4, %scan3A_5 : i32
    %scan3A_7 = arith.constant 1 : i32
    scf.for %scan3A_36 = %scan3A_4 to %scan3A_6 step %scan3A_7  : i32 {
      %jit3A = arith.constant 4 : i32
      %div3A = arith.divsi %scan3A_36, %jit3A : i32
      %sign3A = arith.constant 0 : i32
      %sign3A_37 = arith.cmpi sgt, %scan3A_36, %sign3A : i32
      %sign3A_38 = arith.extui %sign3A_37 : i1 to i32
      %sign3A_39 = arith.constant 0 : i32
      %sign3A_40 = arith.cmpi slt, %scan3A_36, %sign3A_39 : i32
      %sign3A_41 = arith.extui %sign3A_40 : i1 to i32
      %sign3A_42 = arith.subi %sign3A_38, %sign3A_41 : i32
      %sign3A_43 = arith.constant 0 : i32
      %sign3A_44 = arith.cmpi sgt, %jit3A, %sign3A_43 : i32
      %sign3A_45 = arith.extui %sign3A_44 : i1 to i32
      %sign3A_46 = arith.constant 0 : i32
      %sign3A_47 = arith.cmpi slt, %jit3A, %sign3A_46 : i32
      %sign3A_48 = arith.extui %sign3A_47 : i1 to i32
      %sign3A_49 = arith.subi %sign3A_45, %sign3A_48 : i32
      %ne3A = arith.cmpi ne, %sign3A_42, %sign3A_49 : i32
      %rem3A = arith.remsi %scan3A_36, %jit3A : i32
      %ne3A_50 = arith.constant 0 : i32
      %ne3A_51 = arith.cmpi ne, %rem3A, %ne3A_50 : i32
      %and3A = arith.andi %ne3A, %ne3A_51 : i1
      %sub3A = arith.constant 1 : i32
      %sub3A_52 = arith.subi %div3A, %sub3A : i32
      %select_n3A = arith.select %and3A, %sub3A_52, %div3A : i32
      %jit3A_53 = arith.constant 4 : i32
      %eq3A = arith.constant 0 : i32
      %eq3A_54 = arith.cmpi eq, %jit3A_53, %eq3A : i32
      %jit3A_55 = arith.constant 1 : i32
      %select_n3A_56 = arith.select %eq3A_54, %jit3A_55, %jit3A_53 : i32
      %rem3A_57 = arith.remsi %scan3A_36, %select_n3A_56 : i32
      %ne3A_58 = arith.constant 0 : i32
      %ne3A_59 = arith.cmpi ne, %rem3A_57, %ne3A_58 : i32
      %lt3A = arith.constant 0 : i32
      %lt3A_60 = arith.cmpi slt, %rem3A_57, %lt3A : i32
      %lt3A_61 = arith.constant 0 : i32
      %lt3A_62 = arith.cmpi slt, %select_n3A_56, %lt3A_61 : i32
      %ne3A_63 = arith.xori %lt3A_60, %lt3A_62 : i1
      %and3A_64 = arith.andi %ne3A_63, %ne3A_59 : i1
      %add3A_65 = arith.addi %rem3A_57, %select_n3A_56 : i32
      %select_n3A_66 = arith.select %and3A_64, %add3A_65, %rem3A_57 : i32
      %mul3A_67 = arith.constant 16 : i32
      %mul3A_68 = arith.muli %select_n3A_66, %mul3A_67 : i32
      %swap3A = arith.index_cast %select_n3A : i32 to index
      %swap3A_69 = arith.index_cast %mul3A_68 : i32 to index
      %swap3A_70 = tpu.vector_load %arg10[%swap3A, %swap3A_69] {strides = array<i32>} : memref<64x64xf32, #tpu.memory_space<vmem>>, vector<1x16xf32>,
      %swap3A_71 = vector.shape_cast %swap3A_70 : vector<1x16xf32> to vector<16xf32>
      %swap3A_72 = vector.shape_cast %broadcast_in_dim3A_0 : vector<16xf32> to vector<1x16xf32>
      tpu.vector_store %arg10[%swap3A, %swap3A_69], %swap3A_72 {strides = array<i32>} : memref<64x64xf32, #tpu.memory_space<vmem>>, vector<1x16xf32>,
    }
    %scan3A_8 = arith.constant 256 : i32
    %scan3A_9 = arith.constant 0 : i32
    %scan3A_10 = arith.constant 0 : i32
    %scan3A_11 = arith.constant 40 : i32
    %scan3A_12 = arith.addi %scan3A_10, %scan3A_11 : i32
    %scan3A_13 = arith.constant 1 : i32
    scf.for %scan3A_36 = %scan3A_10 to %scan3A_12 step %scan3A_13  : i32 {
      %mul3A_37 = arith.constant 16 : i32
      %mul3A_38 = arith.muli %scan3A_36, %mul3A_37 : i32
      %swap3A = arith.index_cast %mul3A_38 : i32 to index
      %swap3A_39 = tpu.vector_load %arg11[%swap3A] {strides = array<i32>} : memref<640xf32, #tpu.memory_space<vmem>>, vector<16xf32>,
      %swap3A_40 = vector.shape_cast %swap3A_39 : vector<16xf32> to vector<16xf32>
      %swap3A_41 = vector.shape_cast %broadcast_in_dim3A_2 : vector<16xf32> to vector<16xf32>
      tpu.vector_store %arg11[%swap3A], %swap3A_41 {strides = array<i32>} : memref<640xf32, #tpu.memory_space<vmem>>, vector<16xf32>,
    }
    %scan3A_14 = arith.constant 40 : i32
    %scan3A_15 = arith.constant 0 : i32
    %scan3A_16 = arith.constant 0 : i32
    %scan3A_17 = arith.constant 40 : i32
    %scan3A_18 = arith.addi %scan3A_16, %scan3A_17 : i32
    %scan3A_19 = arith.constant 1 : i32
    scf.for %scan3A_36 = %scan3A_16 to %scan3A_18 step %scan3A_19  : i32 {
      %mul3A_37 = arith.constant 16 : i32
      %mul3A_38 = arith.muli %scan3A_36, %mul3A_37 : i32
      %swap3A = arith.index_cast %mul3A_38 : i32 to index
      %swap3A_39 = tpu.vector_load %arg12[%swap3A] {strides = array<i32>} : memref<640xf32, #tpu.memory_space<vmem>>, vector<16xf32>,
      %swap3A_40 = vector.shape_cast %swap3A_39 : vector<16xf32> to vector<16xf32>
      %swap3A_41 = vector.shape_cast %broadcast_in_dim3A_0 : vector<16xf32> to vector<16xf32>
      tpu.vector_store %arg12[%swap3A], %swap3A_41 {strides = array<i32>} : memref<640xf32, #tpu.memory_space<vmem>>, vector<16xf32>,
    }
    %scan3A_20 = arith.constant 40 : i32
    %mul3A_21 = arith.constant 640 : i32
    %mul3A_22 = arith.muli %arg1, %mul3A_21 : i32
    %scan3A_23 = arith.constant 0 : i32
    %scan3A_24 = arith.constant 0 : i32
    %scan3A_25 = arith.constant 10 : i32
    %scan3A_26 = arith.addi %scan3A_24, %scan3A_25 : i32
    %scan3A_27 = arith.constant 1 : i32
    scf.for %scan3A_36 = %scan3A_24 to %scan3A_26 step %scan3A_27  : i32 {
      %mul3A_37 = arith.constant 64 : i32
      %mul3A_38 = arith.muli %scan3A_36, %mul3A_37 : i32
      %add3A_39 = arith.addi %mul3A_22, %mul3A_38 : i32
      "tpu.region"() ({
        %run_scoped3A = tpu.sem_alloc : memref<!tpu.dma_semaphore, #tpu.memory_space<semaphore_mem>>
        %dma_start3A = arith.constant 0 : i32
        %dma_start3A_40 = tpu.memref_slice %arg13[%add3A_39, %dma_start3A] : memref<10240x64xf32, #tpu.memory_space<vmem_shared>> -> memref<64x64xf32, #tpu.memory_space<vmem_shared>>
        %dma_start3A_41 = arith.constant 0 : i32
        %dma_start3A_42 = tpu.memref_slice %arg13[%add3A_39, %dma_start3A_41] : memref<10240x64xf32, #tpu.memory_space<vmem_shared>> -> memref<64x64xf32, #tpu.memory_space<vmem_shared>>
        tpu.enqueue_dma source(%arg10 : memref<64x64xf32, #tpu.memory_space<vmem>>) target(%dma_start3A_42 : memref<64x64xf32, #tpu.memory_space<vmem_shared>>) target_semaphore(%run_scoped3A : memref<!tpu.dma_semaphore, #tpu.memory_space<semaphore_mem>>)
        %dma_wait3A = arith.constant 0 : i32
        %dma_wait3A_43 = tpu.memref_slice %arg13[%add3A_39, %dma_wait3A] : memref<10240x64xf32, #tpu.memory_space<vmem_shared>> -> memref<64x64xf32, #tpu.memory_space<vmem_shared>>
        %dma_wait3A_44 = arith.constant 0 : i32
        %dma_wait3A_45 = tpu.memref_slice %arg13[%add3A_39, %dma_wait3A_44] : memref<10240x64xf32, #tpu.memory_space<vmem_shared>> -> memref<64x64xf32, #tpu.memory_space<vmem_shared>>
        tpu.wait_dma2 semaphore(%run_scoped3A : memref<!tpu.dma_semaphore, #tpu.memory_space<semaphore_mem>>) src(%arg10 : memref<64x64xf32, #tpu.memory_space<vmem>>) dst(%dma_wait3A_45 : memref<64x64xf32, #tpu.memory_space<vmem_shared>>)
        tpu.yield
      }) : () -> ()
    }
    %scan3A_28 = arith.constant 10 : i32
    "tpu.region"() ({
      %run_scoped3A = tpu.sem_alloc : memref<!tpu.dma_semaphore, #tpu.memory_space<semaphore_mem>>
      %dma_start3A = tpu.memref_slice %arg14[%mul3A_22] : memref<10240xf32, #tpu.memory_space<vmem_shared>> -> memref<640xf32, #tpu.memory_space<vmem_shared>>
      %dma_start3A_36 = tpu.memref_slice %arg14[%mul3A_22] : memref<10240xf32, #tpu.memory_space<vmem_shared>> -> memref<640xf32, #tpu.memory_space<vmem_shared>>
      tpu.enqueue_dma source(%arg12 : memref<640xf32, #tpu.memory_space<vmem>>) target(%dma_start3A_36 : memref<640xf32, #tpu.memory_space<vmem_shared>>) target_semaphore(%run_scoped3A : memref<!tpu.dma_semaphore, #tpu.memory_space<semaphore_mem>>)
      %dma_wait3A = tpu.memref_slice %arg14[%mul3A_22] : memref<10240xf32, #tpu.memory_space<vmem_shared>> -> memref<640xf32, #tpu.memory_space<vmem_shared>>
      %dma_wait3A_37 = tpu.memref_slice %arg14[%mul3A_22] : memref<10240xf32, #tpu.memory_space<vmem_shared>> -> memref<640xf32, #tpu.memory_space<vmem_shared>>
      tpu.wait_dma2 semaphore(%run_scoped3A : memref<!tpu.dma_semaphore, #tpu.memory_space<semaphore_mem>>) src(%arg12 : memref<640xf32, #tpu.memory_space<vmem>>) dst(%dma_wait3A_37 : memref<640xf32, #tpu.memory_space<vmem_shared>>)
      tpu.yield
    }) : () -> ()
    %barrier3A = arith.constant 0 : index
    tpu.barrier barrier_id(%barrier3A)
    %scan3A_29 = arith.constant 0 : i32
    %scan3A_30 = arith.constant 0 : i32
    %scan3A_31 = arith.constant 32 : i32
    %scan3A_32 = arith.addi %scan3A_30, %scan3A_31 : i32
    %scan3A_33 = arith.constant 1 : i32
    scf.for %scan3A_36 = %scan3A_30 to %scan3A_32 step %scan3A_33  : i32 {
      %dma_start3A = arith.constant 0 : i32
      %dma_start3A_37 = tpu.memref_slice %arg7[%scan3A_36, %dma_start3A] : memref<32x640xi32, #tpu.memory_space<vmem>> -> memref<1x640xi32, #tpu.memory_space<vmem>>
      %dma_start3A_38 = tpu.memref_squeeze %dma_start3A_37 : memref<1x640xi32, #tpu.memory_space<vmem>> -> memref<640xi32, #tpu.memory_space<vmem>>
      %dma_start3A_39 = arith.constant 0 : i32
      %dma_start3A_40 = arith.constant 0 : i32
      %dma_start3A_41 = tpu.memref_slice %arg2[%dma_start3A_39, %dma_start3A_40] : memref<20480x64xf32, #tpu.memory_space<hbm>> -> memref<20480x64xf32, #tpu.memory_space<hbm>>
      tpu.enqueue_indirect_dma source(%dma_start3A_41 : memref<20480x64xf32, #tpu.memory_space<hbm>>) target(%arg9 : memref<640x64xf32, #tpu.memory_space<vmem>>) offsets(%dma_start3A_38 : memref<640xi32, #tpu.memory_space<vmem>>) semaphore(%arg15 : memref<!tpu.dma_semaphore, #tpu.memory_space<semaphore_mem>>)
      %dma_wait3A = arith.constant 0 : i32
      %dma_wait3A_42 = tpu.memref_slice %arg7[%scan3A_36, %dma_wait3A] : memref<32x640xi32, #tpu.memory_space<vmem>> -> memref<1x640xi32, #tpu.memory_space<vmem>>
      %dma_wait3A_43 = tpu.memref_squeeze %dma_wait3A_42 : memref<1x640xi32, #tpu.memory_space<vmem>> -> memref<640xi32, #tpu.memory_space<vmem>>
      %dma_wait3A_44 = arith.constant 0 : i32
      %dma_wait3A_45 = arith.constant 0 : i32
      %dma_wait3A_46 = tpu.memref_slice %arg2[%dma_wait3A_44, %dma_wait3A_45] : memref<20480x64xf32, #tpu.memory_space<hbm>> -> memref<20480x64xf32, #tpu.memory_space<hbm>>
      tpu.wait_indirect_dma semaphore(%arg15 : memref<!tpu.dma_semaphore, #tpu.memory_space<semaphore_mem>>) src(%dma_wait3A_46 : memref<20480x64xf32, #tpu.memory_space<hbm>>) dst(%arg9 : memref<640x64xf32, #tpu.memory_space<vmem>>)
      "tpu.region"() ({
        %run_scoped3A = tpu.sem_alloc : memref<!tpu.dma_semaphore, #tpu.memory_space<semaphore_mem>>
        %dma_start3A_53 = arith.constant 0 : i32
        %dma_start3A_54 = tpu.memref_slice %arg8[%scan3A_36, %dma_start3A_53] : memref<32x640xi32, #tpu.memory_space<vmem>> -> memref<1x640xi32, #tpu.memory_space<vmem>>
        %dma_start3A_55 = tpu.memref_squeeze %dma_start3A_54 : memref<1x640xi32, #tpu.memory_space<vmem>> -> memref<640xi32, #tpu.memory_space<vmem>>
        %dma_start3A_56 = arith.constant 0 : i32
        %dma_start3A_57 = arith.constant 0 : i32
        %dma_start3A_58 = tpu.memref_slice %arg13[%dma_start3A_56, %dma_start3A_57] : memref<10240x64xf32, #tpu.memory_space<vmem_shared>> -> memref<10240x64xf32, #tpu.memory_space<vmem_shared>>
        tpu.enqueue_indirect_dma source(%arg9 : memref<640x64xf32, #tpu.memory_space<vmem>>) target(%dma_start3A_58 : memref<10240x64xf32, #tpu.memory_space<vmem_shared>>) offsets(%dma_start3A_55 : memref<640xi32, #tpu.memory_space<vmem>>) semaphore(%run_scoped3A : memref<!tpu.dma_semaphore, #tpu.memory_space<semaphore_mem>>) {add = true}
        %dma_wait3A_59 = arith.constant 0 : i32
        %dma_wait3A_60 = tpu.memref_slice %arg8[%scan3A_36, %dma_wait3A_59] : memref<32x640xi32, #tpu.memory_space<vmem>> -> memref<1x640xi32, #tpu.memory_space<vmem>>
        %dma_wait3A_61 = tpu.memref_squeeze %dma_wait3A_60 : memref<1x640xi32, #tpu.memory_space<vmem>> -> memref<640xi32, #tpu.memory_space<vmem>>
        %dma_wait3A_62 = arith.constant 0 : i32
        %dma_wait3A_63 = arith.constant 0 : i32
        %dma_wait3A_64 = tpu.memref_slice %arg13[%dma_wait3A_62, %dma_wait3A_63] : memref<10240x64xf32, #tpu.memory_space<vmem_shared>> -> memref<10240x64xf32, #tpu.memory_space<vmem_shared>>
        tpu.wait_indirect_dma semaphore(%run_scoped3A : memref<!tpu.dma_semaphore, #tpu.memory_space<semaphore_mem>>) src(%arg9 : memref<640x64xf32, #tpu.memory_space<vmem>>) dst(%dma_wait3A_64 : memref<10240x64xf32, #tpu.memory_space<vmem_shared>>)
        tpu.yield
      }) : () -> ()
      %eq3A = arith.constant 0 : i32
      %eq3A_47 = arith.cmpi eq, %arg0, %eq3A : i32
      %lt3A = arith.constant 16 : i32
      %lt3A_48 = arith.cmpi slt, %scan3A_36, %lt3A : i32
      %eq3A_49 = arith.xori %eq3A_47, %lt3A_48 : i1
      %eq3A_50 = arith.constant true
      %eq3A_51 = arith.xori %eq3A_49, %eq3A_50 : i1
      %convert_element_type3A = arith.extui %eq3A_51 : i1 to i32
      %cond3A = arith.constant 0 : i32
      %cond3A_52 = arith.cmpi ne, %convert_element_type3A, %cond3A : i32
      scf.if %cond3A_52 {
        "tpu.region"() ({
          %run_scoped3A = tpu.sem_alloc : memref<!tpu.dma_semaphore, #tpu.memory_space<semaphore_mem>>
          %dma_start3A_53 = arith.constant 0 : i32
          %dma_start3A_54 = tpu.memref_slice %arg8[%scan3A_36, %dma_start3A_53] : memref<32x640xi32, #tpu.memory_space<vmem>> -> memref<1x640xi32, #tpu.memory_space<vmem>>
          %dma_start3A_55 = tpu.memref_squeeze %dma_start3A_54 : memref<1x640xi32, #tpu.memory_space<vmem>> -> memref<640xi32, #tpu.memory_space<vmem>>
          %dma_start3A_56 = arith.constant 0 : i32
          %dma_start3A_57 = tpu.memref_slice %arg14[%dma_start3A_56] : memref<10240xf32, #tpu.memory_space<vmem_shared>> -> memref<10240xf32, #tpu.memory_space<vmem_shared>>
          tpu.enqueue_indirect_dma source(%arg11 : memref<640xf32, #tpu.memory_space<vmem>>) target(%dma_start3A_57 : memref<10240xf32, #tpu.memory_space<vmem_shared>>) offsets(%dma_start3A_55 : memref<640xi32, #tpu.memory_space<vmem>>) semaphore(%run_scoped3A : memref<!tpu.dma_semaphore, #tpu.memory_space<semaphore_mem>>) {add = true}
          %dma_wait3A_58 = arith.constant 0 : i32
          %dma_wait3A_59 = tpu.memref_slice %arg8[%scan3A_36, %dma_wait3A_58] : memref<32x640xi32, #tpu.memory_space<vmem>> -> memref<1x640xi32, #tpu.memory_space<vmem>>
          %dma_wait3A_60 = tpu.memref_squeeze %dma_wait3A_59 : memref<1x640xi32, #tpu.memory_space<vmem>> -> memref<640xi32, #tpu.memory_space<vmem>>
          %dma_wait3A_61 = arith.constant 0 : i32
          %dma_wait3A_62 = tpu.memref_slice %arg14[%dma_wait3A_61] : memref<10240xf32, #tpu.memory_space<vmem_shared>> -> memref<10240xf32, #tpu.memory_space<vmem_shared>>
          tpu.wait_indirect_dma semaphore(%run_scoped3A : memref<!tpu.dma_semaphore, #tpu.memory_space<semaphore_mem>>) src(%arg11 : memref<640xf32, #tpu.memory_space<vmem>>) dst(%dma_wait3A_62 : memref<10240xf32, #tpu.memory_space<vmem_shared>>)
          tpu.yield
        }) : () -> ()
      } else {
      }
    }
    %scan3A_34 = arith.constant 32 : i32
    %barrier3A_35 = arith.constant 0 : index
    tpu.barrier barrier_id(%barrier3A_35)
    "tpu.region"() ({
      %run_scoped3A = tpu.sem_alloc : memref<!tpu.dma_semaphore, #tpu.memory_space<semaphore_mem>>
      %dma_start3A = arith.constant 0 : i32
      %dma_start3A_36 = tpu.memref_slice %arg5[%arg0, %mul3A_22, %dma_start3A] : memref<2x10240x64xf32, #tpu.memory_space<hbm>> -> memref<1x640x64xf32, #tpu.memory_space<hbm>>
      %dma_start3A_37 = tpu.memref_squeeze %dma_start3A_36 : memref<1x640x64xf32, #tpu.memory_space<hbm>> -> memref<640x64xf32, #tpu.memory_space<hbm>>
      %dma_start3A_38 = arith.constant 0 : i32
      %dma_start3A_39 = tpu.memref_slice %arg13[%mul3A_22, %dma_start3A_38] : memref<10240x64xf32, #tpu.memory_space<vmem_shared>> -> memref<640x64xf32, #tpu.memory_space<vmem_shared>>
      tpu.enqueue_dma source(%dma_start3A_39 : memref<640x64xf32, #tpu.memory_space<vmem_shared>>) target(%dma_start3A_37 : memref<640x64xf32, #tpu.memory_space<hbm>>) target_semaphore(%run_scoped3A : memref<!tpu.dma_semaphore, #tpu.memory_space<semaphore_mem>>)
      %dma_wait3A = arith.constant 0 : i32
      %dma_wait3A_40 = tpu.memref_slice %arg5[%arg0, %mul3A_22, %dma_wait3A] : memref<2x10240x64xf32, #tpu.memory_space<hbm>> -> memref<1x640x64xf32, #tpu.memory_space<hbm>>
      %dma_wait3A_41 = tpu.memref_squeeze %dma_wait3A_40 : memref<1x640x64xf32, #tpu.memory_space<hbm>> -> memref<640x64xf32, #tpu.memory_space<hbm>>
      %dma_wait3A_42 = arith.constant 0 : i32
      %dma_wait3A_43 = tpu.memref_slice %arg13[%mul3A_22, %dma_wait3A_42] : memref<10240x64xf32, #tpu.memory_space<vmem_shared>> -> memref<640x64xf32, #tpu.memory_space<vmem_shared>>
      tpu.wait_dma2 semaphore(%run_scoped3A : memref<!tpu.dma_semaphore, #tpu.memory_space<semaphore_mem>>) src(%dma_wait3A_43 : memref<640x64xf32, #tpu.memory_space<vmem_shared>>) dst(%dma_wait3A_41 : memref<640x64xf32, #tpu.memory_space<hbm>>)
      tpu.yield
    }) : () -> ()
    "tpu.region"() ({
      %run_scoped3A = tpu.sem_alloc : memref<!tpu.dma_semaphore, #tpu.memory_space<semaphore_mem>>
      %dma_start3A = tpu.memref_slice %arg14[%mul3A_22] : memref<10240xf32, #tpu.memory_space<vmem_shared>> -> memref<640xf32, #tpu.memory_space<vmem_shared>>
      %dma_start3A_36 = tpu.memref_slice %arg14[%mul3A_22] : memref<10240xf32, #tpu.memory_space<vmem_shared>> -> memref<640xf32, #tpu.memory_space<vmem_shared>>
      tpu.enqueue_dma source(%dma_start3A_36 : memref<640xf32, #tpu.memory_space<vmem_shared>>) target(%arg12 : memref<640xf32, #tpu.memory_space<vmem>>) target_semaphore(%run_scoped3A : memref<!tpu.dma_semaphore, #tpu.memory_space<semaphore_mem>>)
      %dma_wait3A = tpu.memref_slice %arg14[%mul3A_22] : memref<10240xf32, #tpu.memory_space<vmem_shared>> -> memref<640xf32, #tpu.memory_space<vmem_shared>>
      %dma_wait3A_37 = tpu.memref_slice %arg14[%mul3A_22] : memref<10240xf32, #tpu.memory_space<vmem_shared>> -> memref<640xf32, #tpu.memory_space<vmem_shared>>
      tpu.wait_dma2 semaphore(%run_scoped3A : memref<!tpu.dma_semaphore, #tpu.memory_space<semaphore_mem>>) src(%dma_wait3A_37 : memref<640xf32, #tpu.memory_space<vmem_shared>>) dst(%arg12 : memref<640xf32, #tpu.memory_space<vmem>>)
      tpu.yield
    }) : () -> ()
    "tpu.region"() ({
      %run_scoped3A = tpu.sem_alloc : memref<!tpu.dma_semaphore, #tpu.memory_space<semaphore_mem>>
      %dma_start3A = tpu.memref_slice %arg6[%arg0, %mul3A_22] : memref<2x10240xf32, #tpu.memory_space<hbm>> -> memref<1x640xf32, #tpu.memory_space<hbm>>
      %dma_start3A_36 = tpu.memref_squeeze %dma_start3A : memref<1x640xf32, #tpu.memory_space<hbm>> -> memref<640xf32, #tpu.memory_space<hbm>>
      %dma_start3A_37 = tpu.memref_slice %arg6[%arg0, %mul3A_22] : memref<2x10240xf32, #tpu.memory_space<hbm>> -> memref<1x640xf32, #tpu.memory_space<hbm>>
      %dma_start3A_38 = tpu.memref_squeeze %dma_start3A_37 : memref<1x640xf32, #tpu.memory_space<hbm>> -> memref<640xf32, #tpu.memory_space<hbm>>
      tpu.enqueue_dma source(%arg12 : memref<640xf32, #tpu.memory_space<vmem>>) target(%dma_start3A_38 : memref<640xf32, #tpu.memory_space<hbm>>) target_semaphore(%run_scoped3A : memref<!tpu.dma_semaphore, #tpu.memory_space<semaphore_mem>>)
      %dma_wait3A = tpu.memref_slice %arg6[%arg0, %mul3A_22] : memref<2x10240xf32, #tpu.memory_space<hbm>> -> memref<1x640xf32, #tpu.memory_space<hbm>>
      %dma_wait3A_39 = tpu.memref_squeeze %dma_wait3A : memref<1x640xf32, #tpu.memory_space<hbm>> -> memref<640xf32, #tpu.memory_space<hbm>>
      %dma_wait3A_40 = tpu.memref_slice %arg6[%arg0, %mul3A_22] : memref<2x10240xf32, #tpu.memory_space<hbm>> -> memref<1x640xf32, #tpu.memory_space<hbm>>
      %dma_wait3A_41 = tpu.memref_squeeze %dma_wait3A_40 : memref<1x640xf32, #tpu.memory_space<hbm>> -> memref<640xf32, #tpu.memory_space<hbm>>
      tpu.wait_dma2 semaphore(%run_scoped3A : memref<!tpu.dma_semaphore, #tpu.memory_space<semaphore_mem>>) src(%arg12 : memref<640xf32, #tpu.memory_space<vmem>>) dst(%dma_wait3A_41 : memref<640xf32, #tpu.memory_space<hbm>>)
      tpu.yield
    }) : () -> ()
    return
  }
}

module attributes {stable_mosaic.version = 14 : i64} {
  func.func @body(%arg0: i32, %arg1: memref<2x1000x64xf32, #tpu.memory_space<vmem>>, %arg2: memref<1000x2xf32, #tpu.memory_space<vmem>>, %arg3: memref<1000x128xf32, #tpu.memory_space<vmem>>, %arg4: memref<128x128xf32, #tpu.memory_space<vmem>>, %arg5: memref<128x128xf32, #tpu.memory_space<vmem>>, %arg6: memref<1x128xf32, #tpu.memory_space<vmem>>, %arg7: memref<128x16xf32, #tpu.memory_space<vmem>>, %arg8: memref<128x16xf32, #tpu.memory_space<vmem>>, %arg9: memref<1000x16xf32, #tpu.memory_space<vmem>>, %arg10: memref<1000x16xf32, #tpu.memory_space<vmem>>) attributes {dimension_semantics = [#tpu.dimension_semantics<arbitrary>], iteration_bounds = array<i64: 10>, scalar_prefetch = 0 : i64, scratch_operands = 0 : i64, tpu.core_type = #tpu.core_type<tc>, window_params = [{transform_indices = @transform_0, window_bounds = array<i64: 2, 1000, 64>}, {transform_indices = @transform_1, window_bounds = array<i64: 1000, 2>}, {transform_indices = @transform_2, window_bounds = array<i64: 1000, 128>}, {pipeline_mode = #tpu.pipeline_mode<synchronous>, transform_indices = @transform_3, window_bounds = array<i64: 128, 128>}, {pipeline_mode = #tpu.pipeline_mode<synchronous>, transform_indices = @transform_4, window_bounds = array<i64: 128, 128>}, {pipeline_mode = #tpu.pipeline_mode<synchronous>, transform_indices = @transform_5, window_bounds = array<i64: 1, 128>}, {pipeline_mode = #tpu.pipeline_mode<synchronous>, transform_indices = @transform_6, window_bounds = array<i64: 128, 16>}, {pipeline_mode = #tpu.pipeline_mode<synchronous>, transform_indices = @transform_7, window_bounds = array<i64: 128, 16>}, {transform_indices = @transform_8, window_bounds = array<i64: 1000, 16>}, {transform_indices = @transform_9, window_bounds = array<i64: 1000, 16>}]} {
    %get3A = arith.constant 0 : index
    %get3A_0 = arith.constant 0 : index
    %get3A_1 = vector.load %arg2[%get3A, %get3A_0] : memref<1000x2xf32, #tpu.memory_space<vmem>>, vector<1000x1xf32>
    %get3A_2 = arith.constant 0 : index
    %get3A_3 = arith.constant 1 : index
    %get3A_4 = vector.load %arg2[%get3A_2, %get3A_3] : memref<1000x2xf32, #tpu.memory_space<vmem>>, vector<1000x1xf32>
    %add3A = arith.addf %get3A_1, %get3A_4 : vector<1000x1xf32>
    %max3A = arith.constant 1.000000e+00 : f32
    %max3A_5 = vector.broadcast %max3A : f32 to vector<1000x1xf32>
    %max3A_6 = arith.maximumf %add3A, %max3A_5 : vector<1000x1xf32>
    %div3A = arith.constant 1.000000e+00 : f32
    %div3A_7 = vector.broadcast %div3A : f32 to vector<1000x1xf32>
    %div3A_8 = arith.divf %div3A_7, %max3A_6 : vector<1000x1xf32>
    %get3A_9 = arith.constant 0 : index
    %get3A_10 = arith.constant 0 : index
    %get3A_11 = arith.constant 0 : index
    %get3A_12 = vector.load %arg1[%get3A_9, %get3A_10, %get3A_11] : memref<2x1000x64xf32, #tpu.memory_space<vmem>>, vector<1x1000x64xf32>
    %get3A_13 = vector.shape_cast %get3A_12 : vector<1x1000x64xf32> to vector<1000x64xf32>
    %get3A_14 = arith.constant 1 : index
    %get3A_15 = arith.constant 0 : index
    %get3A_16 = arith.constant 0 : index
    %get3A_17 = vector.load %arg1[%get3A_14, %get3A_15, %get3A_16] : memref<2x1000x64xf32, #tpu.memory_space<vmem>>, vector<1x1000x64xf32>
    %get3A_18 = vector.shape_cast %get3A_17 : vector<1x1000x64xf32> to vector<1000x64xf32>
    %concatenate3A = tpu.concatenate %get3A_13, %get3A_18 in 1 : vector<1000x64xf32>, vector<1000x64xf32> -> vector<1000x128xf32>
    %mul3A = vector.broadcast %div3A_8 : vector<1000x1xf32> to vector<1000x128xf32>
    %mul3A_19 = arith.mulf %concatenate3A, %mul3A : vector<1000x128xf32>
    %get3A_20 = arith.constant 0 : index
    %get3A_21 = arith.constant 0 : index
    %get3A_22 = vector.load %arg4[%get3A_20, %get3A_21] : memref<128x128xf32, #tpu.memory_space<vmem>>, vector<128x128xf32>
    %dot_general3A = arith.constant dense<0.000000e+00> : vector<1000x128xf32>
    %dot_general3A_23 = tpu.matmul %mul3A_19, %get3A_22, %dot_general3A {dimension_numbers = #tpu.dot_dimension_numbers<[1], [0], [0], [1], [0, 0, 1, 1], [], []>, transpose_lhs_hint = false} : vector<1000x128xf32>, vector<128x128xf32>, vector<1000x128xf32> -> vector<1000x128xf32>
    %get3A_24 = arith.constant 0 : index
    %get3A_25 = arith.constant 0 : index
    %get3A_26 = vector.load %arg3[%get3A_24, %get3A_25] : memref<1000x128xf32, #tpu.memory_space<vmem>>, vector<1000x128xf32>
    %get3A_27 = arith.constant 0 : index
    %get3A_28 = arith.constant 0 : index
    %get3A_29 = vector.load %arg5[%get3A_27, %get3A_28] : memref<128x128xf32, #tpu.memory_space<vmem>>, vector<128x128xf32>
    %dot_general3A_30 = arith.constant dense<0.000000e+00> : vector<1000x128xf32>
    %dot_general3A_31 = tpu.matmul %get3A_26, %get3A_29, %dot_general3A_30 {dimension_numbers = #tpu.dot_dimension_numbers<[1], [0], [0], [1], [0, 0, 1, 1], [], []>, transpose_lhs_hint = false} : vector<1000x128xf32>, vector<128x128xf32>, vector<1000x128xf32> -> vector<1000x128xf32>
    %add3A_32 = arith.addf %dot_general3A_23, %dot_general3A_31 : vector<1000x128xf32>
    %get3A_33 = arith.constant 0 : index
    %get3A_34 = arith.constant 0 : index
    %get3A_35 = vector.load %arg6[%get3A_33, %get3A_34] : memref<1x128xf32, #tpu.memory_space<vmem>>, vector<1x128xf32>
    %add3A_36 = vector.broadcast %get3A_35 : vector<1x128xf32> to vector<1000x128xf32>
    %add3A_37 = arith.addf %add3A_32, %add3A_36 : vector<1000x128xf32>
    %max3A_38 = arith.constant 0.000000e+00 : f32
    %max3A_39 = vector.broadcast %max3A_38 : f32 to vector<1000x128xf32>
    %max3A_40 = arith.maximumf %add3A_37, %max3A_39 : vector<1000x128xf32>
    %get3A_41 = arith.constant 0 : index
    %get3A_42 = arith.constant 0 : index
    %get3A_43 = vector.load %arg7[%get3A_41, %get3A_42] : memref<128x16xf32, #tpu.memory_space<vmem>>, vector<128x16xf32>
    %dot_general3A_44 = arith.constant dense<0.000000e+00> : vector<1000x16xf32>
    %dot_general3A_45 = tpu.matmul %max3A_40, %get3A_43, %dot_general3A_44 {dimension_numbers = #tpu.dot_dimension_numbers<[1], [0], [0], [1], [0, 0, 1, 1], [], []>, transpose_lhs_hint = false} : vector<1000x128xf32>, vector<128x16xf32>, vector<1000x16xf32> -> vector<1000x16xf32>
    %swap3A = arith.constant 0 : index
    %swap3A_46 = arith.constant 0 : index
    %swap3A_47 = vector.load %arg9[%swap3A, %swap3A_46] : memref<1000x16xf32, #tpu.memory_space<vmem>>, vector<1000x16xf32>
    tpu.vector_store %arg9[%swap3A, %swap3A_46], %dot_general3A_45 {strides = array<i32>} : memref<1000x16xf32, #tpu.memory_space<vmem>>, vector<1000x16xf32>,
    %get3A_48 = arith.constant 0 : index
    %get3A_49 = arith.constant 0 : index
    %get3A_50 = vector.load %arg8[%get3A_48, %get3A_49] : memref<128x16xf32, #tpu.memory_space<vmem>>, vector<128x16xf32>
    %dot_general3A_51 = arith.constant dense<0.000000e+00> : vector<1000x16xf32>
    %dot_general3A_52 = tpu.matmul %max3A_40, %get3A_50, %dot_general3A_51 {dimension_numbers = #tpu.dot_dimension_numbers<[1], [0], [0], [1], [0, 0, 1, 1], [], []>, transpose_lhs_hint = false} : vector<1000x128xf32>, vector<128x16xf32>, vector<1000x16xf32> -> vector<1000x16xf32>
    %swap3A_53 = arith.constant 0 : index
    %swap3A_54 = arith.constant 0 : index
    %swap3A_55 = vector.load %arg10[%swap3A_53, %swap3A_54] : memref<1000x16xf32, #tpu.memory_space<vmem>>, vector<1000x16xf32>
    tpu.vector_store %arg10[%swap3A_53, %swap3A_54], %dot_general3A_52 {strides = array<i32>} : memref<1000x16xf32, #tpu.memory_space<vmem>>, vector<1000x16xf32>,
    return
  }
  func.func @transform_0(%arg0: i32) -> (i32, i32, i32) {
    %c0_i32 = arith.constant 0 : i32
    %c0_i32_0 = arith.constant 0 : i32
    %c0_i32_1 = arith.constant 0 : i32
    return %c0_i32, %arg0, %c0_i32_0 : i32, i32, i32
  }
  func.func @transform_1(%arg0: i32) -> (i32, i32) {
    %c0_i32 = arith.constant 0 : i32
    %c0_i32_0 = arith.constant 0 : i32
    return %arg0, %c0_i32 : i32, i32
  }
  func.func @transform_2(%arg0: i32) -> (i32, i32) {
    %c0_i32 = arith.constant 0 : i32
    %c0_i32_0 = arith.constant 0 : i32
    return %arg0, %c0_i32 : i32, i32
  }
  func.func @transform_3(%arg0: i32) -> (i32, i32) {
    %c0_i32 = arith.constant 0 : i32
    %c0_i32_0 = arith.constant 0 : i32
    %c0_i32_1 = arith.constant 0 : i32
    return %c0_i32, %c0_i32_0 : i32, i32
  }
  func.func @transform_4(%arg0: i32) -> (i32, i32) {
    %c0_i32 = arith.constant 0 : i32
    %c0_i32_0 = arith.constant 0 : i32
    %c0_i32_1 = arith.constant 0 : i32
    return %c0_i32, %c0_i32_0 : i32, i32
  }
  func.func @transform_5(%arg0: i32) -> (i32, i32) {
    %c0_i32 = arith.constant 0 : i32
    %c0_i32_0 = arith.constant 0 : i32
    %c0_i32_1 = arith.constant 0 : i32
    return %c0_i32, %c0_i32_0 : i32, i32
  }
  func.func @transform_6(%arg0: i32) -> (i32, i32) {
    %c0_i32 = arith.constant 0 : i32
    %c0_i32_0 = arith.constant 0 : i32
    %c0_i32_1 = arith.constant 0 : i32
    return %c0_i32, %c0_i32_0 : i32, i32
  }
  func.func @transform_7(%arg0: i32) -> (i32, i32) {
    %c0_i32 = arith.constant 0 : i32
    %c0_i32_0 = arith.constant 0 : i32
    %c0_i32_1 = arith.constant 0 : i32
    return %c0_i32, %c0_i32_0 : i32, i32
  }
  func.func @transform_8(%arg0: i32) -> (i32, i32) {
    %c0_i32 = arith.constant 0 : i32
    %c0_i32_0 = arith.constant 0 : i32
    return %arg0, %c0_i32 : i32, i32
  }
  func.func @transform_9(%arg0: i32) -> (i32, i32) {
    %c0_i32 = arith.constant 0 : i32
    %c0_i32_0 = arith.constant 0 : i32
    return %arg0, %c0_i32 : i32, i32
  }
}

module attributes {stable_mosaic.version = 14 : i64} {
  func.func @body(%arg0: i32, %arg1: memref<2x1000x16xf32, #tpu.memory_space<vmem>>, %arg2: memref<1000x2xf32, #tpu.memory_space<vmem>>, %arg3: memref<1000x16xf32, #tpu.memory_space<vmem>>, %arg4: memref<1x16xf32, #tpu.memory_space<vmem>>, %arg5: memref<1000x16xf32, #tpu.memory_space<vmem>>) attributes {dimension_semantics = [#tpu.dimension_semantics<arbitrary>], iteration_bounds = array<i64: 10>, scalar_prefetch = 0 : i64, scratch_operands = 0 : i64, tpu.core_type = #tpu.core_type<tc>, window_params = [{transform_indices = @transform_0, window_bounds = array<i64: 2, 1000, 16>}, {transform_indices = @transform_1, window_bounds = array<i64: 1000, 2>}, {transform_indices = @transform_2, window_bounds = array<i64: 1000, 16>}, {pipeline_mode = #tpu.pipeline_mode<synchronous>, transform_indices = @transform_3, window_bounds = array<i64: 1, 16>}, {transform_indices = @transform_4, window_bounds = array<i64: 1000, 16>}]} {
    %get3A = arith.constant 0 : index
    %get3A_0 = arith.constant 0 : index
    %get3A_1 = vector.load %arg2[%get3A, %get3A_0] : memref<1000x2xf32, #tpu.memory_space<vmem>>, vector<1000x1xf32>
    %get3A_2 = arith.constant 0 : index
    %get3A_3 = arith.constant 1 : index
    %get3A_4 = vector.load %arg2[%get3A_2, %get3A_3] : memref<1000x2xf32, #tpu.memory_space<vmem>>, vector<1000x1xf32>
    %add3A = arith.addf %get3A_1, %get3A_4 : vector<1000x1xf32>
    %max3A = arith.constant 1.000000e+00 : f32
    %max3A_5 = vector.broadcast %max3A : f32 to vector<1000x1xf32>
    %max3A_6 = arith.maximumf %add3A, %max3A_5 : vector<1000x1xf32>
    %div3A = arith.constant 1.000000e+00 : f32
    %div3A_7 = vector.broadcast %div3A : f32 to vector<1000x1xf32>
    %div3A_8 = arith.divf %div3A_7, %max3A_6 : vector<1000x1xf32>
    %get3A_9 = arith.constant 0 : index
    %get3A_10 = arith.constant 0 : index
    %get3A_11 = arith.constant 0 : index
    %get3A_12 = vector.load %arg1[%get3A_9, %get3A_10, %get3A_11] : memref<2x1000x16xf32, #tpu.memory_space<vmem>>, vector<1x1000x16xf32>
    %get3A_13 = vector.shape_cast %get3A_12 : vector<1x1000x16xf32> to vector<1000x16xf32>
    %get3A_14 = arith.constant 1 : index
    %get3A_15 = arith.constant 0 : index
    %get3A_16 = arith.constant 0 : index
    %get3A_17 = vector.load %arg1[%get3A_14, %get3A_15, %get3A_16] : memref<2x1000x16xf32, #tpu.memory_space<vmem>>, vector<1x1000x16xf32>
    %get3A_18 = vector.shape_cast %get3A_17 : vector<1x1000x16xf32> to vector<1000x16xf32>
    %add3A_19 = arith.addf %get3A_13, %get3A_18 : vector<1000x16xf32>
    %mul3A = vector.broadcast %div3A_8 : vector<1000x1xf32> to vector<1000x16xf32>
    %mul3A_20 = arith.mulf %add3A_19, %mul3A : vector<1000x16xf32>
    %get3A_21 = arith.constant 0 : index
    %get3A_22 = arith.constant 0 : index
    %get3A_23 = vector.load %arg3[%get3A_21, %get3A_22] : memref<1000x16xf32, #tpu.memory_space<vmem>>, vector<1000x16xf32>
    %add3A_24 = arith.addf %mul3A_20, %get3A_23 : vector<1000x16xf32>
    %get3A_25 = arith.constant 0 : index
    %get3A_26 = arith.constant 0 : index
    %get3A_27 = vector.load %arg4[%get3A_25, %get3A_26] : memref<1x16xf32, #tpu.memory_space<vmem>>, vector<1x16xf32>
    %add3A_28 = vector.broadcast %get3A_27 : vector<1x16xf32> to vector<1000x16xf32>
    %add3A_29 = arith.addf %add3A_24, %add3A_28 : vector<1000x16xf32>
    %swap3A = arith.constant 0 : index
    %swap3A_30 = arith.constant 0 : index
    %swap3A_31 = vector.load %arg5[%swap3A, %swap3A_30] : memref<1000x16xf32, #tpu.memory_space<vmem>>, vector<1000x16xf32>
    tpu.vector_store %arg5[%swap3A, %swap3A_30], %add3A_29 {strides = array<i32>} : memref<1000x16xf32, #tpu.memory_space<vmem>>, vector<1000x16xf32>,
    return
  }
  func.func @transform_0(%arg0: i32) -> (i32, i32, i32) {
    %c0_i32 = arith.constant 0 : i32
    %c0_i32_0 = arith.constant 0 : i32
    %c0_i32_1 = arith.constant 0 : i32
    return %c0_i32, %arg0, %c0_i32_0 : i32, i32, i32
  }
  func.func @transform_1(%arg0: i32) -> (i32, i32) {
    %c0_i32 = arith.constant 0 : i32
    %c0_i32_0 = arith.constant 0 : i32
    return %arg0, %c0_i32 : i32, i32
  }
  func.func @transform_2(%arg0: i32) -> (i32, i32) {
    %c0_i32 = arith.constant 0 : i32
    %c0_i32_0 = arith.constant 0 : i32
    return %arg0, %c0_i32 : i32, i32
  }
  func.func @transform_3(%arg0: i32) -> (i32, i32) {
    %c0_i32 = arith.constant 0 : i32
    %c0_i32_0 = arith.constant 0 : i32
    %c0_i32_1 = arith.constant 0 : i32
    return %c0_i32, %c0_i32_0 : i32, i32
  }
  func.func @transform_4(%arg0: i32) -> (i32, i32) {
    %c0_i32 = arith.constant 0 : i32
    %c0_i32_0 = arith.constant 0 : i32
    return %arg0, %c0_i32 : i32, i32
  }
}

</mosaic_0001>

<sc_bundles>
// kernel: kernel.6.cloned.1.call-start
scs
__scs_entry_jumppad:
0x0: {  	(pc) =	sbr.rel $0x88, $3  }
0x1: {  	(tag) =	ssettag $0x0;
	lr =	simm.s32 $0x1  }
0x2: {  	[smem:$0x3F99] =	sst lr;
	_ =	strace $0xD0000000  }
0x3: {  	_ = 	snop  }
0x4: {  	_ = 	snop  }
0x5: {  	_ = 	snop  }
0x6: {  	_ = 	snop  }
0x7: {  	_ = 	snop  }
__scs_overlays_trampoline_lowered:
0x8: {  	[smem:$0x3FA8] =	sst s0  }
0x9: {  	[smem:$0x3FA9] =	sst s1  }
0xa: {  	[smem:$0x3FAA] =	sst s2  }
0xb: {  	[smem:$0x3FAB] =	sst s3  }
0xc: {  	[smem:$0x3FAC] =	sst s4  }
0xd: {  	[smem:$0x3FAD] =	sst s5  }
0xe: {  	[smem:$0x3FAE] =	sst s6  }
0xf: {  	[smem:$0x3FAF] =	sst s7  }
0x10: {  	[smem:$0x3FB0] =	sst s8  }
0x11: {  	[smem:$0x3FB1] =	sst s9;
	s0 =	simm.s32 @!p0 $0x0  }
0x12: {  	s1 =	sld [smem:$0x3F97];
	s0 =	simm.s32 @p0 $0x1  }
0x13: {  	[smem:$0x3FB2] =	sst s0;
	s0 =	simm.s32 @!p1 $0x0  }
0x14: {  	s2 =	sld [smem:$0x3F96];
	s0 =	simm.s32 @p1 $0x1  }
0x15: {  	[smem:$0x3FB3] =	sst s0;
	s0 =	simm.s32 @!p2 $0x0  }
0x16: {  	s3 =	sld [smem:$0x3FDB];
	s0 =	simm.s32 @p2 $0x1  }
0x17: {  	s4 =	simm.s32 $0x1BF5;
	[smem:$0x3FB5] =	sst s0  }
0x18: {  	s0 =	sld [smem:$0x3F98];
	_ =	swait.ge [sflag:s4], $0x0  }
0x19: {  	s7 =	sld [smem:$0x3F99]  }
0x1a: {  	s8 =	sadd.s32 $0xFFFFE003, lr  }
0x1b: {  	s9 =	sadd.s32 $0xFFFFFEF7, lr;
	s5 =	simm.s32 $0xFFFFFFFF;
	p2 =	slt.u32 s8, $0xFFFFF086  }
0x1c: {  	p1 =	slt.u32 s9, $0xF7A;
	s5 =	simm.s32 @!p2 $0x0  }
0x1d: {  	s5 =	simm.s32 @p1 $0x1;
	p0 =	seq.s32 s7, s2  }
0x1e: {  	s7 =	smul.u32 @!p0 $0xF7A, s2;
	p2 =	seq.s32 @!p0 s5, $0x0  }
0x1f: {  	s9 =	smul.u32 $0xF7A, s1;
	s8 =	simm.s32 @!p0 $0x1BF5;
	p2 =	por !p2, p0  }
0x20: {  	[sflag:s8] =	ssyncset.s32 @!p0 $0xFFFFF086;
	s6 =	sadd.s32 @!p0 s3, s7;
	s7 =	simm.s32 @!p0 $0x108  }
0x21: {  	s3 =	sadd.s32 s3, s9;
	s6 =	sadd.s32 @!p0 $0x88, s6;
	s7 =	simm.s32 @p2 $0x1082  }
0x22: {  	[simem:s7], [sflag:s8] =	dma.local @!p0 [hbm:s6], $0xF7A  }
0x23: {  	s9 =	sor.u32 $0xD0000000, s2;
	s6 =	simm.s32 $0x108;
	_ =	swait.ge @!p0 [sflag:s8], $0x0  }
0x24: {  	s3 =	sadd.s32 $0x88, s3;
	s6 =	simm.s32 @!p1 $0x1082;
	[sflag:s4] =	ssyncset.s32 $0xFFFFF086  }
0x25: {  	[simem:s6], [sflag:s4] =	dma.local [hbm:s3], $0xF7A  }
0x26: {  	[smem:$0x3F99] =	sst s1;
	(tag) =	ssettag s2;
	_ =	strace s9  }
0x27: {  	s1 =	sld [smem:$0x3FA9]  }
0x28: {  	s2 =	sld [smem:$0x3FAA]  }
0x29: {  	s4 =	sld [smem:$0x3FAC]  }
0x2a: {  	p0 =	seq.s32 s5, $0x0;
	s5 =	sld [smem:$0x3FAD]  }
0x2b: {  	s6 =	sld [smem:$0x3FAE]  }
0x2c: {  	s7 =	sld [smem:$0x3FAF]  }
0x2d: {  	s3 =	simm.s32 $0x108;
	s8 =	sld [smem:$0x3FB0]  }
0x2e: {  	s3 =	simm.s32 @!p0 $0x1082;
	s9 =	sld [smem:$0x3FB1]  }
0x2f: {  	lr =	sadd.s32 s0, s3;
	s0 =	sld [smem:$0x3FA8]  }
0x30: {  	s3 =	sld [smem:$0x3FAB]  }
0x31: {  	[smem:$0x3FB4] =	sst s10  }
0x32: {  	s10 =	sld [smem:$0x3FB2];
	_ =	sdelay $0x3  }
0x33: {  	p0 =	seq.s32 s10, $0x1;
	s10 =	sld [smem:$0x3FB4];
	_ =	sdelay $0x3  }
0x34: {  	[smem:$0x3FB4] =	sst s10  }
0x35: {  	s10 =	sld [smem:$0x3FB3];
	_ =	sdelay $0x3  }
0x36: {  	p1 =	seq.s32 s10, $0x1;
	s10 =	sld [smem:$0x3FB4];
	_ =	sdelay $0x3  }
0x37: {  	[smem:$0x3FB4] =	sst s10  }
0x38: {  	s10 =	sld [smem:$0x3FB5]  }
0x39: {  	_ = 	snop;
	(pc) =	sbr.ind lr, $3  }
0x3a: {  	_ = 	snop  }
0x3b: {  	_ = 	snop  }
0x3c: {  	p2 =	seq.s32 s10, $0x1;
	s10 =	sld [smem:$0x3FB4]  }
0x3d: {  	_ =	shalt  }
0x3e: {  	_ =	shalt  }
0x3f: {  	_ =	shalt  }
0x40: {  	_ =	shalt  }
0x41: {  	_ =	shalt  }
0x42: {  	_ =	shalt  }
0x43: {  	_ =	shalt  }
0x44: {  	_ =	shalt  }
0x45: {  	_ =	shalt  }
0x46: {  	_ =	shalt  }
0x47: {  	_ =	shalt  }
0x48: {  	_ =	shalt  }
0x49: {  	_ =	shalt  }
0x4a: {  	_ =	shalt  }
0x4b: {  	_ =	shalt  }
0x4c: {  	_ =	shalt  }
0x4d: {  	_ =	shalt  }
0x4e: {  	_ =	shalt  }
0x4f: {  	_ =	shalt  }
0x50: {  	_ =	shalt  }
0x51: {  	_ =	shalt  }
0x52: {  	_ =	shalt  }
0x53: {  	_ =	shalt  }
0x54: {  	_ =	shalt  }
0x55: {  	_ =	shalt  }
0x56: {  	_ =	shalt  }
0x57: {  	_ =	shalt  }
0x58: {  	_ =	shalt  }
0x59: {  	_ =	shalt  }
0x5a: {  	_ =	shalt  }
0x5b: {  	_ =	shalt  }
0x5c: {  	_ =	shalt  }
0x5d: {  	_ =	shalt  }
0x5e: {  	_ =	shalt  }
0x5f: {  	_ =	shalt  }
0x60: {  	_ =	shalt  }
0x61: {  	_ =	shalt  }
0x62: {  	_ =	shalt  }
0x63: {  	_ =	shalt  }
0x64: {  	_ =	shalt  }
0x65: {  	_ =	shalt  }
0x66: {  	_ =	shalt  }
0x67: {  	_ =	shalt  }
0x68: {  	_ =	shalt  }
0x69: {  	_ =	shalt  }
0x6a: {  	_ =	shalt  }
0x6b: {  	_ =	shalt  }
0x6c: {  	_ =	shalt  }
0x6d: {  	_ =	shalt  }
0x6e: {  	_ =	shalt  }
0x6f: {  	_ =	shalt  }
0x70: {  	_ =	shalt  }
0x71: {  	_ =	shalt  }
0x72: {  	_ =	shalt  }
0x73: {  	_ =	shalt  }
0x74: {  	_ =	shalt  }
0x75: {  	_ =	shalt  }
0x76: {  	_ =	shalt  }
0x77: {  	_ =	shalt  }
0x78: {  	_ =	shalt  }
0x79: {  	_ =	shalt  }
0x7a: {  	_ =	shalt  }
0x7b: {  	_ =	shalt  }
0x7c: {  	_ =	shalt  }
0x7d: {  	_ =	shalt  }
0x7e: {  	_ =	shalt  }
0x7f: {  	_ =	shalt  }
0x80: {  	_ =	shalt  }
0x81: {  	_ =	shalt  }
0x82: {  	_ =	shalt  }
0x83: {  	_ =	shalt  }
0x84: {  	_ =	shalt  }
0x85: {  	_ =	shalt  }
0x86: {  	_ =	shalt  }
0x87: {  	_ =	shalt  }
.Lfunc_end0:
.L_simem_size_0:
called_computation_lowered:
.L_overlay_start_0:
0x88: {  	s2 =	sld [smem:$0x3FD9]  }
0x89: {  	s3 =	sld [smem:$0x3FFE];
	_ =	sdelay $0x1  }
0x8a: {  	s1 =	srdreg.scid  }
0x8b: {  	s0 =	sand.u32 $0x1, s1  }
0x8c: {  	s16 =	sshll.u32 s0, $0xA;
	s2 =	sadd.s32 s3, s2  }
0x8d: {  	s2 =	sadd.s32 s2, s16  }
0x8e: {  	[smem:$0x3FC0] =	sst s2  }
0x8f: {  	_ = 	snop  }
0x90: {  	(tm) =	ssettm $0x1  }
0x91: {  	s17 =	sld [smem:$0x3FFB];
	_ =	sdelay $0x3  }
0x92: {  	_ =	strace s17  }
0x93: {  	s2 =	sld [smem:$0x3FFC];
	_ =	sdelay $0x3  }
0x94: {  	_ =	strace s2  }
0x95: {  	s2 =	sld [smem:$0x3FFD];
	_ =	sdelay $0x3  }
0x96: {  	_ =	strace s2  }
0x97: {  	_ =	strace $0x8FFFFFFF  }
0x98: {  	s18 =	sld [smem:$0x3FDB];
	_ =	sdelay $0x1  }
0x99: {  	s19 =	simm.s32 $_scs_section_size  }
0x9a: {  	s4 =	simm.s32 $_size__tile_overlayer_lowered;
	s5 =	simm.s32 $_tile_overlayer_lowered  }
0x9b: {  	s22 =	simm.s32 $0x1BFF;
	s21 =	sshll.u32 s5, $0x1;
	s2 =	sadd.s32 s19, s18  }
0x9c: {  	s6 =	simm.s32 $0x0;
	s20 =	sshll.u32 s4, $0x1;
	s4 =	sadd.s32 s21, s2  }
0x9d: {  	[timem:s6], [sflag:s22] =	dma.local [hbm:s4], s20  }
0x9e: {  	_ =	swait.ge [sflag:s22], s20  }
0x9f: {  	s3 =	ssub.s32 $0x0, s20;
	[sflag:s22] =	ssyncset.done $0x0  }
0xa0: {  	[sflag:s22] =	ssyncadd.s32 s3;
	_ =	sdelay $0x1  }
0xa1: {  	s23 =	simm.s32 $0x1B8B  }
0xa2: {  	_ =	swait.ge [sflag:s23], $0x1  }
0xa3: {  	[sflag:s23] =	ssyncset.done $0x0  }
0xa4: {  	s25 =	simm.s32 $0x1B8E;
	s24 =	sld [smem:$0x3FFE];
	[sflag:s23] =	ssyncadd.s32 $0xFFFFFFFF  }
0xa5: {  	s26 =	simm.s32 $execute0_lowered;
	[smem:$0x3FD2] =	sst s25  }
0xa6: {  	s4 =	sshll.u32 s26, $0x1;
	_ =	strace $0x80000046;
	[dreg:$0x1] =	wrdreg $0xFFFFFFFF  }
0xa7: {  	s28 =	simm.s32 $_size_execute0_lowered;
	s2 =	sadd.s32 s2, s4;
	[dreg:$0x0] =	wrdreg $0x0  }
0xa8: {  	s4 =	sshll.u32 s28, $0x1;
	[dreg:$0x2] =	wrdreg s2  }
0xa9: {  	[dreg:$0x3] =	wrdreg s4  }
0xaa: {  	[dreg:$0x4] =	wrdreg $0xC0  }
0xab: {  	_ =	task [dreg:s6], $0x5FFFF  }
0xac: {  	[dreg:$0x1] =	wrdreg $0xFFFFFFFF  }
0xad: {  	[dreg:$0x0] =	wrdreg $0x60  }
0xae: {  	[dreg:$0x2] =	wrdreg s24  }
0xaf: {  	[dreg:$0x3] =	wrdreg $0x155000  }
0xb0: {  	[dreg:$0x4] =	wrdreg $0x1F5000  }
0xb1: {  	[dreg:$0x5] =	wrdreg $0x9  }
0xb2: {  	_ =	task.clear_ibuf [dreg:s6], $0x6FFFF;
	_ =	strace $0x90000046  }
0xb3: {  	s29 =	simm.s32 $0x9;
	_ =	strace $0x80000048  }
0xb4: {  	_ =	swait.ge [sflag:s29], $0x1  }
0xb5: {  	[sflag:s29] =	ssyncadd.s32 $0xFFFFFFFF  }
0xb6: {  	_ =	strace $0x90000048  }
0xb7: {  	_ =	sfence  }
0xb8: {  	s30 =	sld [smem:$0x0];
	_ =	sdelay $0x2  }
0xb9: {  	s31 =	sshll.u32 s1, $0xD;
	s1 =	sshrl.u32 s1, $0x2  }
0xba: {  	s3 =	sand.u32 $0x4000, s31;
	s1 =	sadd.s32 s1, s30  }
0xbb: {  	s0 =	sor.u32 s3, s0;
	s1 =	sshll.u32 s1, $0x11  }
0xbc: {  	s0 =	sor.u32 s1, s0  }
0xbd: {  	s0 =	sadd.s32 $0x8F2B, s0  }
0xbe: {  	[sflag:s0] =	ssyncadd.remote.s32 $0x1  }
0xbf: {  	_ =	sfence.sel $0xFFFF  }
0xc0: {  	[dreg:$0x0] =	wrdreg $0xFFFFFFFF;
	(pc) =	sbr.abs _section_cstart, $3  }
0xc1: {  	[dreg:$0x1] =	wrdreg $0xFFFFFFFF  }
0xc2: {  	_ =	task.clear_ibuf [dreg:s6], $0x2FFFF;
	_ =	strace $0x9FFFFFFF  }
0xc3: {  	(tm) =	ssettm $0x7FFFFFFF  }
tec
execute0_lowered:
.L_overlay_start_1:
0x0: {  	(tag) =	ssettag $0x1  }
0x1: {  	s6 =	rddreg [dreg:$0x0]  }
0x2: {  	s0 =	srdreg.scid;
	s2 =	rddreg [dreg:$0x1]  }
0x3: {  	s13 =	stileid.u32;
	s3 =	rddreg [dreg:$0x2];
	s4 =	simm.s32 $0x0  }
0x4: {  	s28 =	simm.s32 $0x280;
	s29 =	simm.s32 $0xA000;
	s7 =	smul.u32 $0xA00, s13  }
0x5: {  	s30 =	simm.s32 $0x1;
	s31 =	simm.s32 $0x3;
	s10 =	smul.u32 $0xA000, s13  }
0x6: {  	s0 =	sand.u32 $0x1, s0;
	[smem:$0x7FF] =	sst s4;
	s9 =	smul.u32 $0x280, s13  }
0x7: {  	s5 =	sadd.s32 $0x29C00, s6;
	s1 =	sshll.u32 s0, $0x4;
	s8 =	smul.u32 $0xA0000, s0  }
0x8: {  	_ =	strace $0x80000047;
	s11 =	smul.u32 $0x2800, s0;
	s12 =	ssub.s32 $0x2, s0  }
0x9: {  	p0 =	seq.s32 s0, $0x0;
	s1 =	sor.u32 s13, s1;
	s7 =	sadd.s32 s7, s6  }
0xa: {  	s13 =	smul.u32 $0x28000, s13;
	s22 =	sshrl.u32 s12, $0x1;
	s25 =	sadd.s32 s10, s2  }
0xb: {  	s1 =	smul.u32 $0xA00, s1;
	s8 =	sadd.s32 s10, s8;
	s11 =	sadd.s32 s9, s11  }
0xc: {  	s12 =	ssub.s32 s12, s22;
	s7 =	sadd.s32 $0x1C00, s7;
	s9 =	sadd.s32 s9, s3  }
0xd: {  	s22 =	simm.s32 $0x2;
	s25 =	sshrl.u32 s25, $0x3;
	s8 =	sshrl.u32 s8, $0x3  }
0xe: {  	s11 =	sshrl.u32 s11, $0x3;
	s23 =	sshrl.u32 s13, $0x2;
	[dreg:$0x5] =	wrdreg s7  }
0xf: {  	s26 =	smax.u32 s12, $0x1;
	s1 =	sadd.s32 s1, s6;
	s14 =	sadd.s32 s8, s6  }
0x10: {  	s6 =	sadd.s32 s11, s6;
	s8 =	sadd.s32 s23, s2;
	[dreg:$0x8] =	wrdreg s26  }
0x11: {  	s26 =	simm.s32 $0x15280;
	s1 =	sadd.s32 $0x15C00, s1;
	s24 =	sadd.s32 $0x52600, s14  }
0x12: {  	s6 =	sadd.s32 $0x51C00, s6;
	s13 =	sadd.s32 $0x1000, s8;
	s14 =	sadd.s32 $0x2000, s8  }
0x13: {  	s15 =	sadd.s32 $0x3000, s8;
	s16 =	sadd.s32 $0x4000, s8;
	s17 =	sadd.s32 $0x5000, s8  }
0x14: {  	s18 =	sadd.s32 $0x6000, s8;
	s19 =	sadd.s32 $0x7000, s8;
	[dreg:$0x4] =	wrdreg s1  }
0x15: {  	s20 =	sadd.s32 $0x8000, s8;
	s21 =	sadd.s32 $0x9000, s8;
	[dreg:$0x6] =	wrdreg s24  }
0x16: {  	v0 =	vimm.f32 $0.0e+00;
	v1 =	vimm.f32 $1.000000000e+00;
	[dreg:$0x7] =	wrdreg s6;
	s24 =	simm.s32 $0x14000;
	s1 =	simm.s32 $0x0  }
.LBB2_1:
0x17: {  	s0 =	rddreg [dreg:$0x4]  }
0x18: {  	[tilespmem:s4], [sflag:$0x2] =	stream.linear.gather [hbm4b:s0+s4], $0x5000, $0x38;
	[tilespmem:$0x1F780] =	vst v63  }
0x19: {  	_ =	swait.ge [sflag:s22], $0x5000  }
0x1a: {  	[sflag:s22] =	ssyncset.done $0x0  }
0x1b: {  	s6 =	simm.s32 $0x5000;
	s11 =	rddreg [dreg:$0x5];
	[sflag:s22] =	ssyncadd.s32 $0xFFFFB000  }
0x1c: {  	[tilespmem:s6], [sflag:$0x2] =	stream.linear.gather [hbm4b:s11+s4], $0x5000, $0x38;
	[tilespmem:$0x1F780] =	vst v63  }
0x1d: {  	s12 =	sand.u32 $0x3F00, s4;
	s23 =	sand.u32 $0x30, s4;
	_ =	swait.ge [sflag:s22], $0x5000  }
0x1e: {  	s7 =	sshrl.u32 s12, $0x2;
	s0 =	simm.s32 $0x40;
	[sflag:s22] =	ssyncset.done $0x0  }
0x1f: {  	s7 =	sor.u32 s23, s7;
	s6 =	simm.s32 $0x0;
	[sflag:s22] =	ssyncadd.s32 $0xFFFFB000  }
.LBB2_2:
0x20: {  	p1 =	sne.s32 s0, $0x3FC0  }
0x21: {  	[tilespmem:s7+$0x14000] =	vst v0;
	s6 =	sadd.s32 $0x10, s6;
	s7 =	smov.u32 s0;
	s0 =	sadd.s32 $0x40, s0  }
.Ltmp0:
0x22: {  	(pc) =	sbr.rel @p1 .LBB2_2-.Ltmp0, $4  }
0x23: {  	_ = 	snop  }
0x24: {  	s7 =	sand.u32 $0x3F00, s7  }
0x25: {  	s10 =	sand.u32 $0x30, s6;
	s7 =	sshrl.u32 s7, $0x2  }
0x26: {  	s7 =	sor.u32 s10, s7  }
0x27: {  	[tilespmem:s7+$0x14000] =	vst v0  }
0x28: {  	[tilespmem:$0x15000] =	vst v1  }
0x29: {  	[tilespmem:$0x15010] =	vst v1  }
0x2a: {  	[tilespmem:$0x15020] =	vst v1  }
0x2b: {  	[tilespmem:$0x15030] =	vst v1  }
0x2c: {  	[tilespmem:$0x15040] =	vst v1  }
0x2d: {  	[tilespmem:$0x15050] =	vst v1  }
0x2e: {  	[tilespmem:$0x15060] =	vst v1  }
0x2f: {  	[tilespmem:$0x15070] =	vst v1  }
0x30: {  	[tilespmem:$0x15080] =	vst v1  }
0x31: {  	[tilespmem:$0x15090] =	vst v1  }
0x32: {  	[tilespmem:$0x150A0] =	vst v1  }
0x33: {  	[tilespmem:$0x150B0] =	vst v1  }
0x34: {  	[tilespmem:$0x150C0] =	vst v1  }
0x35: {  	[tilespmem:$0x150D0] =	vst v1  }
0x36: {  	[tilespmem:$0x150E0] =	vst v1  }
0x37: {  	[tilespmem:$0x150F0] =	vst v1  }
0x38: {  	[tilespmem:$0x15100] =	vst v1  }
0x39: {  	[tilespmem:$0x15110] =	vst v1  }
0x3a: {  	[tilespmem:$0x15120] =	vst v1  }
0x3b: {  	[tilespmem:$0x15130] =	vst v1  }
0x3c: {  	[tilespmem:$0x15140] =	vst v1  }
0x3d: {  	[tilespmem:$0x15150] =	vst v1  }
0x3e: {  	[tilespmem:$0x15160] =	vst v1  }
0x3f: {  	[tilespmem:$0x15170] =	vst v1  }
0x40: {  	[tilespmem:$0x15180] =	vst v1  }
0x41: {  	[tilespmem:$0x15190] =	vst v1  }
0x42: {  	[tilespmem:$0x151A0] =	vst v1  }
0x43: {  	[tilespmem:$0x151B0] =	vst v1  }
0x44: {  	[tilespmem:$0x151C0] =	vst v1  }
0x45: {  	[tilespmem:$0x151D0] =	vst v1  }
0x46: {  	[tilespmem:$0x151E0] =	vst v1  }
0x47: {  	[tilespmem:$0x151F0] =	vst v1  }
0x48: {  	[tilespmem:$0x15200] =	vst v1  }
0x49: {  	[tilespmem:$0x15210] =	vst v1  }
0x4a: {  	[tilespmem:$0x15220] =	vst v1  }
0x4b: {  	[tilespmem:$0x15230] =	vst v1  }
0x4c: {  	[tilespmem:$0x15240] =	vst v1  }
0x4d: {  	[tilespmem:$0x15250] =	vst v1  }
0x4e: {  	[tilespmem:$0x15260] =	vst v1  }
0x4f: {  	[tilespmem:$0x15270] =	vst v1  }
0x50: {  	[tilespmem:$0x15280] =	vst v0  }
0x51: {  	[tilespmem:$0x15290] =	vst v0  }
0x52: {  	[tilespmem:$0x152A0] =	vst v0  }
0x53: {  	[tilespmem:$0x152B0] =	vst v0  }
0x54: {  	[tilespmem:$0x152C0] =	vst v0  }
0x55: {  	[tilespmem:$0x152D0] =	vst v0  }
0x56: {  	[tilespmem:$0x152E0] =	vst v0  }
0x57: {  	[tilespmem:$0x152F0] =	vst v0  }
0x58: {  	[tilespmem:$0x15300] =	vst v0  }
0x59: {  	[tilespmem:$0x15310] =	vst v0  }
0x5a: {  	[tilespmem:$0x15320] =	vst v0  }
0x5b: {  	[tilespmem:$0x15330] =	vst v0  }
0x5c: {  	[tilespmem:$0x15340] =	vst v0  }
0x5d: {  	[tilespmem:$0x15350] =	vst v0  }
0x5e: {  	[tilespmem:$0x15360] =	vst v0  }
0x5f: {  	[tilespmem:$0x15370] =	vst v0  }
0x60: {  	[tilespmem:$0x15380] =	vst v0  }
0x61: {  	[tilespmem:$0x15390] =	vst v0  }
0x62: {  	[tilespmem:$0x153A0] =	vst v0  }
0x63: {  	[tilespmem:$0x153B0] =	vst v0  }
0x64: {  	[tilespmem:$0x153C0] =	vst v0  }
0x65: {  	[tilespmem:$0x153D0] =	vst v0  }
0x66: {  	[tilespmem:$0x153E0] =	vst v0  }
0x67: {  	[tilespmem:$0x153F0] =	vst v0  }
0x68: {  	[tilespmem:$0x15400] =	vst v0  }
0x69: {  	[tilespmem:$0x15410] =	vst v0  }
0x6a: {  	[tilespmem:$0x15420] =	vst v0  }
0x6b: {  	[tilespmem:$0x15430] =	vst v0  }
0x6c: {  	[tilespmem:$0x15440] =	vst v0  }
0x6d: {  	[tilespmem:$0x15450] =	vst v0  }
0x6e: {  	[tilespmem:$0x15460] =	vst v0  }
0x6f: {  	[tilespmem:$0x15470] =	vst v0  }
0x70: {  	[tilespmem:$0x15480] =	vst v0  }
0x71: {  	[tilespmem:$0x15490] =	vst v0  }
0x72: {  	[tilespmem:$0x154A0] =	vst v0  }
0x73: {  	[tilespmem:$0x154B0] =	vst v0  }
0x74: {  	[tilespmem:$0x154C0] =	vst v0  }
0x75: {  	[tilespmem:$0x154D0] =	vst v0  }
0x76: {  	[tilespmem:$0x154E0] =	vst v0  }
0x77: {  	[tilespmem:$0x154F0] =	vst v0  }
0x78: {  	[spmem:s8] =	stream.linear.scatter [tilespmem:s24], [sflag:$0x2], $0x1000, $0x38;
	[tilespmem:$0x1F780] =	vst v63  }
0x79: {  	_ =	swait.ge [sflag:s22], $0x1000  }
0x7a: {  	[sflag:s22] =	ssyncset.done $0x0  }
0x7b: {  	[sflag:s22] =	ssyncadd.s32 $0xFFFFF000  }
0x7c: {  	[spmem:s13] =	stream.linear.scatter [tilespmem:s24], [sflag:$0x2], $0x1000, $0x38;
	[tilespmem:$0x1F780] =	vst v63  }
0x7d: {  	_ =	swait.ge [sflag:s22], $0x1000  }
0x7e: {  	[sflag:s22] =	ssyncset.done $0x0  }
0x7f: {  	[sflag:s22] =	ssyncadd.s32 $0xFFFFF000  }
0x80: {  	[spmem:s14] =	stream.linear.scatter [tilespmem:s24], [sflag:$0x2], $0x1000, $0x38;
	[tilespmem:$0x1F780] =	vst v63  }
0x81: {  	_ =	swait.ge [sflag:s22], $0x1000  }
0x82: {  	[sflag:s22] =	ssyncset.done $0x0  }
0x83: {  	[sflag:s22] =	ssyncadd.s32 $0xFFFFF000  }
0x84: {  	[spmem:s15] =	stream.linear.scatter [tilespmem:s24], [sflag:$0x2], $0x1000, $0x38;
	[tilespmem:$0x1F780] =	vst v63  }
0x85: {  	_ =	swait.ge [sflag:s22], $0x1000  }
0x86: {  	[sflag:s22] =	ssyncset.done $0x0  }
0x87: {  	[sflag:s22] =	ssyncadd.s32 $0xFFFFF000  }
0x88: {  	[spmem:s16] =	stream.linear.scatter [tilespmem:s24], [sflag:$0x2], $0x1000, $0x38;
	[tilespmem:$0x1F780] =	vst v63  }
0x89: {  	_ =	swait.ge [sflag:s22], $0x1000  }
0x8a: {  	[sflag:s22] =	ssyncset.done $0x0  }
0x8b: {  	[sflag:s22] =	ssyncadd.s32 $0xFFFFF000  }
0x8c: {  	[spmem:s17] =	stream.linear.scatter [tilespmem:s24], [sflag:$0x2], $0x1000, $0x38;
	[tilespmem:$0x1F780] =	vst v63  }
0x8d: {  	_ =	swait.ge [sflag:s22], $0x1000  }
0x8e: {  	[sflag:s22] =	ssyncset.done $0x0  }
0x8f: {  	[sflag:s22] =	ssyncadd.s32 $0xFFFFF000  }
0x90: {  	[spmem:s18] =	stream.linear.scatter [tilespmem:s24], [sflag:$0x2], $0x1000, $0x38;
	[tilespmem:$0x1F780] =	vst v63  }
0x91: {  	_ =	swait.ge [sflag:s22], $0x1000  }
0x92: {  	[sflag:s22] =	ssyncset.done $0x0  }
0x93: {  	[sflag:s22] =	ssyncadd.s32 $0xFFFFF000  }
0x94: {  	[spmem:s19] =	stream.linear.scatter [tilespmem:s24], [sflag:$0x2], $0x1000, $0x38;
	[tilespmem:$0x1F780] =	vst v63  }
0x95: {  	_ =	swait.ge [sflag:s22], $0x1000  }
0x96: {  	[sflag:s22] =	ssyncset.done $0x0  }
0x97: {  	[sflag:s22] =	ssyncadd.s32 $0xFFFFF000  }
0x98: {  	[spmem:s20] =	stream.linear.scatter [tilespmem:s24], [sflag:$0x2], $0x1000, $0x38;
	[tilespmem:$0x1F780] =	vst v63  }
0x99: {  	_ =	swait.ge [sflag:s22], $0x1000  }
0x9a: {  	[sflag:s22] =	ssyncset.done $0x0  }
0x9b: {  	[sflag:s22] =	ssyncadd.s32 $0xFFFFF000  }
0x9c: {  	[spmem:s21] =	stream.linear.scatter [tilespmem:s24], [sflag:$0x2], $0x1000, $0x38;
	[tilespmem:$0x1F780] =	vst v63  }
0x9d: {  	_ =	swait.ge [sflag:s22], $0x1000  }
0x9e: {  	[sflag:s22] =	ssyncset.done $0x0  }
0x9f: {  	[sflag:s22] =	ssyncadd.s32 $0xFFFFF000  }
0xa0: {  	[spmem:s9] =	stream.linear.scatter [tilespmem:s26], [sflag:$0x2], $0x280, $0x38;
	[tilespmem:$0x1F780] =	vst v63  }
0xa1: {  	_ =	swait.ge [sflag:s22], $0x280  }
0xa2: {  	[sflag:s22] =	ssyncset.done $0x0  }
0xa3: {  	[sflag:s22] =	ssyncadd.s32 $0xFFFFFD80  }
0xa4: {  	s0 =	simm.s32 $0x0;
	[bflag:$0x0] =	sbarrier.arrive $0xFFFF  }
0xa5: {  	[tilespmem:s29], [sflag:$0x1] =	stream.indirect.gather [hbm4b:s5+s28], $0x40, s0, s28, $0xb8;
	[tilespmem:$0x1F780] =	vst v63  }
0xa6: {  	p1 =	por $0x0, $0x0;
	s6 =	simm.s32 $0x1;
	_ =	swait.ge [sflag:s30], $0xA000  }
0xa7: {  	s23 =	simm.s32 $0x1;
	s6 =	simm.s32 @!p1 $0x0;
	[sflag:s30] =	ssyncset.done $0x0  }
0xa8: {  	s23 =	simm.s32 @!p0 $0x0;
	s0 =	simm.s32 $0x5000;
	[sflag:s30] =	ssyncadd.s32 $0xFFFF6000  }
0xa9: {  	[spmem:s2] =	stream.indirect.scatter.add.f32 [tilespmem:s29], [sflag:$0x3], $0x40, s0, s28, $0xb8;
	[tilespmem:$0x1F780] =	vst v63  }
0xaa: {  	p1 =	seq.s32 s23, s6;
	_ =	swait.ge [sflag:s31], $0xA000  }
0xab: {  	s6 =	simm.s32 @!p1 $0x280;
	[sflag:s31] =	ssyncset.done $0x0  }
0xac: {  	s7 =	simm.s32 @!p1 $0x15000;
	s10 =	simm.s32 @!p1 $0x2;
	[sflag:s31] =	ssyncadd.s32 $0xFFFF6000  }
0xad: {  	[spmem:s3] =	stream.indirect.scatter.add.f32 @!p1 [tilespmem:s7], [sflag:$0x2], $0x1, s0, s6, $0xb8;
	[tilespmem:$0x1F780] =	vst v63  }
0xae: {  	s6 =	simm.s32 $0x1;
	s7 =	simm.s32 $0x280;
	_ =	swait.ge @!p1 [sflag:s10], $0x280  }
.LBB2_4:
0xaf: {  	[sflag:s10] =	ssyncset.done @!p1 $0x0  }
0xb0: {  	s0 =	sadd.s32 $0x280, s0;
	s11 =	smov.u32 s6;
	s6 =	sadd.s32 $0x1, s6  }
0xb1: {  	p2 =	sne.s32 s6, $0x20;
	[sflag:s10] =	ssyncadd.s32 @!p1 $0xFFFFFD80  }
0xb2: {  	[tilespmem:s29], [sflag:$0x1] =	stream.indirect.gather [hbm4b:s5+s28], $0x40, s7, s28, $0xb8;
	[tilespmem:$0x1F780] =	vst v63  }
0xb3: {  	_ =	swait.ge [sflag:s30], $0xA000  }
0xb4: {  	p1 =	sgt.u32 s11, $0xF;
	s10 =	simm.s32 $0x1;
	[sflag:s30] =	ssyncset.done $0x0  }
0xb5: {  	s10 =	simm.s32 @!p1 $0x0;
	[sflag:s30] =	ssyncadd.s32 $0xFFFF6000  }
0xb6: {  	[spmem:s2] =	stream.indirect.scatter.add.f32 [tilespmem:s29], [sflag:$0x3], $0x40, s0, s28, $0xb8;
	[tilespmem:$0x1F780] =	vst v63  }
.Ltmp1:
0xb7: {  	p1 =	seq.s32 s23, s10;
	_ =	swait.ge [sflag:s31], $0xA000;
	(pc) =	sbr.rel @p2 .LBB2_4-.Ltmp1, $4  }
0xb8: {  	s11 =	simm.s32 @!p1 $0x280;
	s12 =	simm.s32 @!p1 $0x15000;
	[sflag:s31] =	ssyncset.done $0x0  }
0xb9: {  	s10 =	simm.s32 @!p1 $0x2;
	[sflag:s31] =	ssyncadd.s32 $0xFFFF6000  }
0xba: {  	[spmem:s3] =	stream.indirect.scatter.add.f32 @!p1 [tilespmem:s12], [sflag:$0x2], $0x1, s0, s11, $0xb8;
	[tilespmem:$0x1F780] =	vst v63  }
0xbb: {  	s7 =	sadd.s32 $0x280, s7;
	_ =	swait.ge @!p1 [sflag:s10], $0x280  }
0xbc: {  	[sflag:s10] =	ssyncset.done @!p1 $0x0  }
0xbd: {  	s0 =	stileid.u32;
	[sflag:s10] =	ssyncadd.s32 @!p1 $0xFFFFFD80  }
0xbe: {  	s0 =	sshll.u32 s0, $0x6;
	[bflag:$0x0] =	sbarrier.arrive $0xFFFF  }
0xbf: {  	s0 =	sor.u32 $0x1C02, s0;
	s6 =	rddreg [dreg:$0x6]  }
0xc0: {  	[hbm:s6], [sflag:s0] =	dma.local [spmem:s25], $0x1400  }
0xc1: {  	_ =	swait.ge [sflag:s22], $0x1400  }
0xc2: {  	[sflag:s22] =	ssyncset.done $0x0  }
0xc3: {  	[sflag:s22] =	ssyncadd.s32 $0xFFFFEC00  }
0xc4: {  	[tilespmem:s26], [sflag:$0x2] =	stream.linear.gather [spmem:s9], $0x280, $0x38;
	[tilespmem:$0x1F780] =	vst v63  }
0xc5: {  	_ =	swait.ge [sflag:s22], $0x280  }
0xc6: {  	[sflag:s22] =	ssyncset.done $0x0  }
0xc7: {  	s12 =	rddreg [dreg:$0x7];
	[sflag:s22] =	ssyncadd.s32 $0xFFFFFD80  }
0xc8: {  	[hbm4b:s12+s4] =	stream.linear.scatter [tilespmem:s26], [sflag:$0x2], $0x280, $0x38;
	[tilespmem:$0x1F780] =	vst v63  }
0xc9: {  	_ =	swait.ge [sflag:s22], $0x280  }
0xca: {  	s1 =	sadd.s32 $0x1, s1;
	s23 =	rddreg [dreg:$0x8]  }
0xcb: {  	p1 =	sne.s32 s1, s23  }
.Ltmp2:
0xcc: {  	_ = 	snop;
	(pc) =	sbr.rel @p1 .LBB2_1-.Ltmp2, $3  }
0xcd: {  	_ =	sdelay $0x1  }
0xce: {  	[sflag:s22] =	ssyncset.done $0x0  }
0xcf: {  	[sflag:s22] =	ssyncadd.s32 $0xFFFFFD80  }
0xd0: {  	_ =	sfence.sel $0x180000  }
0xd1: {  	[bflag:$0x0] =	sbarrier.arrive $0xFFFF  }
0xd2: {  	_ =	strace $0x90000047  }
0xd3: {  	s0 =	stileid.u32;
	[bflag:$0x2] =	sbarrier.arrive $0xFFFF  }
0xd4: {  	p0 =	sne.s32 s0, $0x0;
	s0 =	rddreg [dreg:$0x3]  }
0xd5: {  	s0 =	sadd.s32 @!p0 $0x100000, s0  }
0xd6: {  	[sflag:s0] =	ssyncadd.tile.s32 @!p0 $0x1;
	_ =	shalt  }
.Lfunc_end2:
_tile_overlayer_lowered:
.L_overlay_start_2:
0xd7: {  	(tag) =	ssettag $0x2  }
0xd8: {  	s0 =	rddreg [dreg:$0x0];
	s2 =	stileid.u32  }
0xd9: {  	s1 =	rddreg [dreg:$0x1];
	p0 =	sne.s32 s2, $0x0  }
0xda: {  	s3 =	rddreg [dreg:$0x2];
	[bflag:$0x3] =	sbarrier.arrive $0xFFFF;
	s2 =	simm.s32 @!p0 $0x1C02  }
0xdb: {  	[timem:s3], [sflag:s2] =	dma.local @!p0 [hbm:s0], s1  }
0xdc: {  	s0 =	simm.s32 @!p0 $0x2  }
0xdd: {  	_ =	swait.ge @!p0 [sflag:s0], s1  }
0xde: {  	s1 =	ssub.s32 @!p0 $0x0, s1;
	[sflag:s0] =	ssyncset.done @!p0 $0x0  }
0xdf: {  	[sflag:s0] =	ssyncadd.s32 @!p0 s1  }
0xe0: {  	[bflag:$0x3] =	sbarrier.arrive $0xFFFF  }
0xe1: {  	_ =	shalt  }

// kernel: kernel.9.cloned.1.call-start
scs
__scs_entry_jumppad:
0x0: {  	(pc) =	sbr.rel $0x88, $3  }
0x1: {  	(tag) =	ssettag $0x0;
	lr =	simm.s32 $0x1  }
0x2: {  	[smem:$0x3F99] =	sst lr;
	_ =	strace $0xD0000000  }
0x3: {  	_ = 	snop  }
0x4: {  	_ = 	snop  }
0x5: {  	_ = 	snop  }
0x6: {  	_ = 	snop  }
0x7: {  	_ = 	snop  }
__scs_overlays_trampoline_lowered:
0x8: {  	[smem:$0x3FA8] =	sst s0  }
0x9: {  	[smem:$0x3FA9] =	sst s1  }
0xa: {  	[smem:$0x3FAA] =	sst s2  }
0xb: {  	[smem:$0x3FAB] =	sst s3  }
0xc: {  	[smem:$0x3FAC] =	sst s4  }
0xd: {  	[smem:$0x3FAD] =	sst s5  }
0xe: {  	[smem:$0x3FAE] =	sst s6  }
0xf: {  	[smem:$0x3FAF] =	sst s7  }
0x10: {  	[smem:$0x3FB0] =	sst s8  }
0x11: {  	[smem:$0x3FB1] =	sst s9;
	s0 =	simm.s32 @!p0 $0x0  }
0x12: {  	s1 =	sld [smem:$0x3F97];
	s0 =	simm.s32 @p0 $0x1  }
0x13: {  	[smem:$0x3FB2] =	sst s0;
	s0 =	simm.s32 @!p1 $0x0  }
0x14: {  	s2 =	sld [smem:$0x3F96];
	s0 =	simm.s32 @p1 $0x1  }
0x15: {  	[smem:$0x3FB3] =	sst s0;
	s0 =	simm.s32 @!p2 $0x0  }
0x16: {  	s3 =	sld [smem:$0x3FDB];
	s0 =	simm.s32 @p2 $0x1  }
0x17: {  	s4 =	simm.s32 $0x1BF5;
	[smem:$0x3FB5] =	sst s0  }
0x18: {  	s0 =	sld [smem:$0x3F98];
	_ =	swait.ge [sflag:s4], $0x0  }
0x19: {  	s7 =	sld [smem:$0x3F99]  }
0x1a: {  	s8 =	sadd.s32 $0xFFFFE003, lr  }
0x1b: {  	s9 =	sadd.s32 $0xFFFFFEF7, lr;
	s5 =	simm.s32 $0xFFFFFFFF;
	p2 =	slt.u32 s8, $0xFFFFF086  }
0x1c: {  	p1 =	slt.u32 s9, $0xF7A;
	s5 =	simm.s32 @!p2 $0x0  }
0x1d: {  	s5 =	simm.s32 @p1 $0x1;
	p0 =	seq.s32 s7, s2  }
0x1e: {  	s7 =	smul.u32 @!p0 $0xF7A, s2;
	p2 =	seq.s32 @!p0 s5, $0x0  }
0x1f: {  	s9 =	smul.u32 $0xF7A, s1;
	s8 =	simm.s32 @!p0 $0x1BF5;
	p2 =	por !p2, p0  }
0x20: {  	[sflag:s8] =	ssyncset.s32 @!p0 $0xFFFFF086;
	s6 =	sadd.s32 @!p0 s3, s7;
	s7 =	simm.s32 @!p0 $0x108  }
0x21: {  	s3 =	sadd.s32 s3, s9;
	s6 =	sadd.s32 @!p0 $0x88, s6;
	s7 =	simm.s32 @p2 $0x1082  }
0x22: {  	[simem:s7], [sflag:s8] =	dma.local @!p0 [hbm:s6], $0xF7A  }
0x23: {  	s9 =	sor.u32 $0xD0000000, s2;
	s6 =	simm.s32 $0x108;
	_ =	swait.ge @!p0 [sflag:s8], $0x0  }
0x24: {  	s3 =	sadd.s32 $0x88, s3;
	s6 =	simm.s32 @!p1 $0x1082;
	[sflag:s4] =	ssyncset.s32 $0xFFFFF086  }
0x25: {  	[simem:s6], [sflag:s4] =	dma.local [hbm:s3], $0xF7A  }
0x26: {  	[smem:$0x3F99] =	sst s1;
	(tag) =	ssettag s2;
	_ =	strace s9  }
0x27: {  	s1 =	sld [smem:$0x3FA9]  }
0x28: {  	s2 =	sld [smem:$0x3FAA]  }
0x29: {  	s4 =	sld [smem:$0x3FAC]  }
0x2a: {  	p0 =	seq.s32 s5, $0x0;
	s5 =	sld [smem:$0x3FAD]  }
0x2b: {  	s6 =	sld [smem:$0x3FAE]  }
0x2c: {  	s7 =	sld [smem:$0x3FAF]  }
0x2d: {  	s3 =	simm.s32 $0x108;
	s8 =	sld [smem:$0x3FB0]  }
0x2e: {  	s3 =	simm.s32 @!p0 $0x1082;
	s9 =	sld [smem:$0x3FB1]  }
0x2f: {  	lr =	sadd.s32 s0, s3;
	s0 =	sld [smem:$0x3FA8]  }
0x30: {  	s3 =	sld [smem:$0x3FAB]  }
0x31: {  	[smem:$0x3FB4] =	sst s10  }
0x32: {  	s10 =	sld [smem:$0x3FB2];
	_ =	sdelay $0x3  }
0x33: {  	p0 =	seq.s32 s10, $0x1;
	s10 =	sld [smem:$0x3FB4];
	_ =	sdelay $0x3  }
0x34: {  	[smem:$0x3FB4] =	sst s10  }
0x35: {  	s10 =	sld [smem:$0x3FB3];
	_ =	sdelay $0x3  }
0x36: {  	p1 =	seq.s32 s10, $0x1;
	s10 =	sld [smem:$0x3FB4];
	_ =	sdelay $0x3  }
0x37: {  	[smem:$0x3FB4] =	sst s10  }
0x38: {  	s10 =	sld [smem:$0x3FB5]  }
0x39: {  	_ = 	snop;
	(pc) =	sbr.ind lr, $3  }
0x3a: {  	_ = 	snop  }
0x3b: {  	_ = 	snop  }
0x3c: {  	p2 =	seq.s32 s10, $0x1;
	s10 =	sld [smem:$0x3FB4]  }
0x3d: {  	_ =	shalt  }
0x3e: {  	_ =	shalt  }
0x3f: {  	_ =	shalt  }
0x40: {  	_ =	shalt  }
0x41: {  	_ =	shalt  }
0x42: {  	_ =	shalt  }
0x43: {  	_ =	shalt  }
0x44: {  	_ =	shalt  }
0x45: {  	_ =	shalt  }
0x46: {  	_ =	shalt  }
0x47: {  	_ =	shalt  }
0x48: {  	_ =	shalt  }
0x49: {  	_ =	shalt  }
0x4a: {  	_ =	shalt  }
0x4b: {  	_ =	shalt  }
0x4c: {  	_ =	shalt  }
0x4d: {  	_ =	shalt  }
0x4e: {  	_ =	shalt  }
0x4f: {  	_ =	shalt  }
0x50: {  	_ =	shalt  }
0x51: {  	_ =	shalt  }
0x52: {  	_ =	shalt  }
0x53: {  	_ =	shalt  }
0x54: {  	_ =	shalt  }
0x55: {  	_ =	shalt  }
0x56: {  	_ =	shalt  }
0x57: {  	_ =	shalt  }
0x58: {  	_ =	shalt  }
0x59: {  	_ =	shalt  }
0x5a: {  	_ =	shalt  }
0x5b: {  	_ =	shalt  }
0x5c: {  	_ =	shalt  }
0x5d: {  	_ =	shalt  }
0x5e: {  	_ =	shalt  }
0x5f: {  	_ =	shalt  }
0x60: {  	_ =	shalt  }
0x61: {  	_ =	shalt  }
0x62: {  	_ =	shalt  }
0x63: {  	_ =	shalt  }
0x64: {  	_ =	shalt  }
0x65: {  	_ =	shalt  }
0x66: {  	_ =	shalt  }
0x67: {  	_ =	shalt  }
0x68: {  	_ =	shalt  }
0x69: {  	_ =	shalt  }
0x6a: {  	_ =	shalt  }
0x6b: {  	_ =	shalt  }
0x6c: {  	_ =	shalt  }
0x6d: {  	_ =	shalt  }
0x6e: {  	_ =	shalt  }
0x6f: {  	_ =	shalt  }
0x70: {  	_ =	shalt  }
0x71: {  	_ =	shalt  }
0x72: {  	_ =	shalt  }
0x73: {  	_ =	shalt  }
0x74: {  	_ =	shalt  }
0x75: {  	_ =	shalt  }
0x76: {  	_ =	shalt  }
0x77: {  	_ =	shalt  }
0x78: {  	_ =	shalt  }
0x79: {  	_ =	shalt  }
0x7a: {  	_ =	shalt  }
0x7b: {  	_ =	shalt  }
0x7c: {  	_ =	shalt  }
0x7d: {  	_ =	shalt  }
0x7e: {  	_ =	shalt  }
0x7f: {  	_ =	shalt  }
0x80: {  	_ =	shalt  }
0x81: {  	_ =	shalt  }
0x82: {  	_ =	shalt  }
0x83: {  	_ =	shalt  }
0x84: {  	_ =	shalt  }
0x85: {  	_ =	shalt  }
0x86: {  	_ =	shalt  }
0x87: {  	_ =	shalt  }
.Lfunc_end0:
.L_simem_size_0:
called_computation.1_lowered:
.L_overlay_start_0:
0x88: {  	s2 =	sld [smem:$0x3FD9]  }
0x89: {  	s3 =	sld [smem:$0x3FFE];
	_ =	sdelay $0x1  }
0x8a: {  	s1 =	srdreg.scid  }
0x8b: {  	s0 =	sand.u32 $0x1, s1  }
0x8c: {  	s16 =	sshll.u32 s0, $0xA;
	s2 =	sadd.s32 s3, s2  }
0x8d: {  	s2 =	sadd.s32 s2, s16  }
0x8e: {  	[smem:$0x3FC0] =	sst s2  }
0x8f: {  	_ = 	snop  }
0x90: {  	(tm) =	ssettm $0x1  }
0x91: {  	s17 =	sld [smem:$0x3FFB];
	_ =	sdelay $0x3  }
0x92: {  	_ =	strace s17  }
0x93: {  	s2 =	sld [smem:$0x3FFC];
	_ =	sdelay $0x3  }
0x94: {  	_ =	strace s2  }
0x95: {  	s2 =	sld [smem:$0x3FFD];
	_ =	sdelay $0x3  }
0x96: {  	_ =	strace s2  }
0x97: {  	_ =	strace $0x8FFFFFFF  }
0x98: {  	s18 =	sld [smem:$0x3FDB];
	_ =	sdelay $0x1  }
0x99: {  	s19 =	simm.s32 $_scs_section_size  }
0x9a: {  	s4 =	simm.s32 $_size__tile_overlayer_lowered;
	s5 =	simm.s32 $_tile_overlayer_lowered  }
0x9b: {  	s22 =	simm.s32 $0x1BFF;
	s21 =	sshll.u32 s5, $0x1;
	s2 =	sadd.s32 s19, s18  }
0x9c: {  	s6 =	simm.s32 $0x0;
	s20 =	sshll.u32 s4, $0x1;
	s4 =	sadd.s32 s21, s2  }
0x9d: {  	[timem:s6], [sflag:s22] =	dma.local [hbm:s4], s20  }
0x9e: {  	_ =	swait.ge [sflag:s22], s20  }
0x9f: {  	s3 =	ssub.s32 $0x0, s20;
	[sflag:s22] =	ssyncset.done $0x0  }
0xa0: {  	[sflag:s22] =	ssyncadd.s32 s3;
	_ =	sdelay $0x1  }
0xa1: {  	s23 =	simm.s32 $0x1B8B  }
0xa2: {  	_ =	swait.ge [sflag:s23], $0x1  }
0xa3: {  	[sflag:s23] =	ssyncset.done $0x0  }
0xa4: {  	s25 =	simm.s32 $0x1B8E;
	s24 =	sld [smem:$0x3FFE];
	[sflag:s23] =	ssyncadd.s32 $0xFFFFFFFF  }
0xa5: {  	s26 =	simm.s32 $execute0_lowered;
	[smem:$0x3FD2] =	sst s25  }
0xa6: {  	s4 =	sshll.u32 s26, $0x1;
	_ =	strace $0x80000049;
	[dreg:$0x1] =	wrdreg $0xFFFFFFFF  }
0xa7: {  	s28 =	simm.s32 $_size_execute0_lowered;
	s2 =	sadd.s32 s2, s4;
	[dreg:$0x0] =	wrdreg $0x0  }
0xa8: {  	s4 =	sshll.u32 s28, $0x1;
	[dreg:$0x2] =	wrdreg s2  }
0xa9: {  	[dreg:$0x3] =	wrdreg s4  }
0xaa: {  	[dreg:$0x4] =	wrdreg $0xC0  }
0xab: {  	_ =	task [dreg:s6], $0x5FFFF  }
0xac: {  	[dreg:$0x1] =	wrdreg $0xFFFFFFFF  }
0xad: {  	[dreg:$0x0] =	wrdreg $0x60  }
0xae: {  	[dreg:$0x2] =	wrdreg s24  }
0xaf: {  	[dreg:$0x3] =	wrdreg $0x94000  }
0xb0: {  	[dreg:$0x4] =	wrdreg $0x9  }
0xb1: {  	_ =	task.clear_ibuf [dreg:s6], $0x5FFFF;
	_ =	strace $0x90000049  }
0xb2: {  	s29 =	simm.s32 $0x9;
	_ =	strace $0x8000004B  }
0xb3: {  	_ =	swait.ge [sflag:s29], $0x1  }
0xb4: {  	[sflag:s29] =	ssyncadd.s32 $0xFFFFFFFF  }
0xb5: {  	_ =	strace $0x9000004B  }
0xb6: {  	_ =	sfence  }
0xb7: {  	s30 =	sld [smem:$0x0];
	_ =	sdelay $0x2  }
0xb8: {  	s31 =	sshll.u32 s1, $0xD;
	s1 =	sshrl.u32 s1, $0x2  }
0xb9: {  	s3 =	sand.u32 $0x4000, s31;
	s1 =	sadd.s32 s1, s30  }
0xba: {  	s0 =	sor.u32 s3, s0;
	s1 =	sshll.u32 s1, $0x11  }
0xbb: {  	s0 =	sor.u32 s1, s0  }
0xbc: {  	s0 =	sadd.s32 $0x8F2B, s0  }
0xbd: {  	[sflag:s0] =	ssyncadd.remote.s32 $0x1  }
0xbe: {  	_ =	sfence.sel $0xFFFF  }
0xbf: {  	[dreg:$0x0] =	wrdreg $0xFFFFFFFF;
	(pc) =	sbr.abs _section_cstart, $3  }
0xc0: {  	[dreg:$0x1] =	wrdreg $0xFFFFFFFF  }
0xc1: {  	_ =	task.clear_ibuf [dreg:s6], $0x2FFFF;
	_ =	strace $0x9FFFFFFF  }
0xc2: {  	(tm) =	ssettm $0x7FFFFFFF  }
0xc3: {  	_ =	shalt  }
tec
execute0_lowered:
.L_overlay_start_1:
0x0: {  	(tag) =	ssettag $0x1  }
0x1: {  	s0 =	rddreg [dreg:$0x0]  }
0x2: {  	s1 =	rddreg [dreg:$0x1]  }
0x3: {  	s2 =	srdreg.scid;
	s3 =	simm.s32 $0x0;
	s7 =	stileid.u32  }
0x4: {  	s19 =	simm.s32 $0x2;
	s20 =	simm.s32 $0x2800;
	s21 =	simm.s32 $0x9000  }
0x5: {  	s22 =	simm.s32 $0x400;
	s23 =	simm.s32 $0x5000;
	s24 =	simm.s32 $0x1  }
0x6: {  	s28 =	simm.s32 $0x2400;
	s29 =	simm.s32 $0x4C00;
	s9 =	smul.u32 $0x2800, s7  }
0x7: {  	s2 =	sand.u32 $0x1, s2;
	s4 =	sshll.u32 s7, $0x1;
	s7 =	smul.u32 $0xA000, s7  }
0x8: {  	s30 =	simm.s32 $0x0;
	[smem:$0x7FF] =	sst s3;
	s5 =	smul.u32 $0x28000, s2  }
0x9: {  	_ =	strace $0x8000004A;
	s6 =	sor.u32 s2, s4;
	s2 =	ssub.s32 $0x2, s2  }
0xa: {  	s4 =	sadd.s32 $0x15C00, s0;
	s6 =	smul.u32 $0x500, s6;
	s26 =	sshrl.u32 s2, $0x1  }
0xb: {  	s7 =	sshrl.u32 s7, $0x2;
	s31 =	sadd.s32 s9, s1;
	s5 =	sadd.s32 s9, s5  }
0xc: {  	s2 =	ssub.s32 s2, s26;
	s7 =	sadd.s32 s7, s1;
	s25 =	sshrl.u32 s31, $0x3  }
0xd: {  	s26 =	simm.s32 $0x4800;
	s5 =	sshrl.u32 s5, $0x3;
	s6 =	sadd.s32 s6, s0  }
0xe: {  	s9 =	smax.u32 s2, $0x1;
	s10 =	sadd.s32 $0x400, s7;
	s11 =	sadd.s32 $0x800, s7  }
0xf: {  	s12 =	sadd.s32 $0xC00, s7;
	s13 =	sadd.s32 $0x1000, s7;
	s14 =	sadd.s32 $0x1400, s7  }
0x10: {  	s15 =	sadd.s32 $0x1800, s7;
	s16 =	sadd.s32 $0x1C00, s7;
	s17 =	sadd.s32 $0x2000, s7  }
0x11: {  	s18 =	sadd.s32 $0x2400, s7;
	s2 =	simm.s32 $0x2000;
	s0 =	sadd.s32 s5, s0  }
0x12: {  	v0 =	vimm.f32 $0.0e+00;
	s5 =	sadd.s32 $0xBC00, s6;
	s6 =	sadd.s32 $0x1C00, s6;
	s8 =	sadd.s32 $0x1AC00, s0  }
.LBB2_1:
0x13: {  	[tilespmem:s3], [sflag:$0x2] =	stream.linear.gather [hbm4b:s5+s3], $0x2800, $0x38;
	[tilespmem:$0xBC00] =	vst v63  }
0x14: {  	_ =	swait.ge [sflag:s19], $0x2800  }
0x15: {  	[sflag:s19] =	ssyncset.done $0x0  }
0x16: {  	[sflag:s19] =	ssyncadd.s32 $0xFFFFD800  }
0x17: {  	[tilespmem:s20], [sflag:$0x2] =	stream.linear.gather [hbm4b:s6+s3], $0x2800, $0x38;
	[tilespmem:$0xBC00] =	vst v63  }
0x18: {  	_ =	swait.ge [sflag:s19], $0x2800  }
0x19: {  	[sflag:s19] =	ssyncset.done $0x0  }
0x1a: {  	s31 =	simm.s32 $0x40;
	s0 =	simm.s32 $0x0;
	[sflag:s19] =	ssyncadd.s32 $0xFFFFD800  }
.LBB2_2:
0x1b: {  	p0 =	sne.s32 s31, $0xFC0;
	[tilespmem:s0+$0x9000] =	vst v0;
	s0 =	smov.u32 s31;
	s31 =	sadd.s32 $0x40, s31  }
.Ltmp0:
0x1c: {  	(pc) =	sbr.rel @p0 .LBB2_2-.Ltmp0, $2  }
0x1d: {  	_ =	sdelay $0x2  }
0x1e: {  	s0 =	sshra.s32 s0, $0x2  }
0x1f: {  	[tilespmem:s0+$0x9000] =	vst v0  }
0x20: {  	[spmem:s7] =	stream.linear.scatter [tilespmem:s21], [sflag:$0x2], $0x400, $0x38;
	[tilespmem:$0xBC00] =	vst v63  }
0x21: {  	_ =	swait.ge [sflag:s19], $0x400  }
0x22: {  	[sflag:s19] =	ssyncset.done $0x0  }
0x23: {  	[sflag:s19] =	ssyncadd.s32 $0xFFFFFC00  }
0x24: {  	[spmem:s10] =	stream.linear.scatter [tilespmem:s21], [sflag:$0x2], $0x400, $0x38;
	[tilespmem:$0xBC00] =	vst v63  }
0x25: {  	_ =	swait.ge [sflag:s19], $0x400  }
0x26: {  	[sflag:s19] =	ssyncset.done $0x0  }
0x27: {  	[sflag:s19] =	ssyncadd.s32 $0xFFFFFC00  }
0x28: {  	[spmem:s11] =	stream.linear.scatter [tilespmem:s21], [sflag:$0x2], $0x400, $0x38;
	[tilespmem:$0xBC00] =	vst v63  }
0x29: {  	_ =	swait.ge [sflag:s19], $0x400  }
0x2a: {  	[sflag:s19] =	ssyncset.done $0x0  }
0x2b: {  	[sflag:s19] =	ssyncadd.s32 $0xFFFFFC00  }
0x2c: {  	[spmem:s12] =	stream.linear.scatter [tilespmem:s21], [sflag:$0x2], $0x400, $0x38;
	[tilespmem:$0xBC00] =	vst v63  }
0x2d: {  	_ =	swait.ge [sflag:s19], $0x400  }
0x2e: {  	[sflag:s19] =	ssyncset.done $0x0  }
0x2f: {  	[sflag:s19] =	ssyncadd.s32 $0xFFFFFC00  }
0x30: {  	[spmem:s13] =	stream.linear.scatter [tilespmem:s21], [sflag:$0x2], $0x400, $0x38;
	[tilespmem:$0xBC00] =	vst v63  }
0x31: {  	_ =	swait.ge [sflag:s19], $0x400  }
0x32: {  	[sflag:s19] =	ssyncset.done $0x0  }
0x33: {  	[sflag:s19] =	ssyncadd.s32 $0xFFFFFC00  }
0x34: {  	[spmem:s14] =	stream.linear.scatter [tilespmem:s21], [sflag:$0x2], $0x400, $0x38;
	[tilespmem:$0xBC00] =	vst v63  }
0x35: {  	_ =	swait.ge [sflag:s19], $0x400  }
0x36: {  	[sflag:s19] =	ssyncset.done $0x0  }
0x37: {  	[sflag:s19] =	ssyncadd.s32 $0xFFFFFC00  }
0x38: {  	[spmem:s15] =	stream.linear.scatter [tilespmem:s21], [sflag:$0x2], $0x400, $0x38;
	[tilespmem:$0xBC00] =	vst v63  }
0x39: {  	_ =	swait.ge [sflag:s19], $0x400  }
0x3a: {  	[sflag:s19] =	ssyncset.done $0x0  }
0x3b: {  	[sflag:s19] =	ssyncadd.s32 $0xFFFFFC00  }
0x3c: {  	[spmem:s16] =	stream.linear.scatter [tilespmem:s21], [sflag:$0x2], $0x400, $0x38;
	[tilespmem:$0xBC00] =	vst v63  }
0x3d: {  	_ =	swait.ge [sflag:s19], $0x400  }
0x3e: {  	[sflag:s19] =	ssyncset.done $0x0  }
0x3f: {  	[sflag:s19] =	ssyncadd.s32 $0xFFFFFC00  }
0x40: {  	[spmem:s17] =	stream.linear.scatter [tilespmem:s21], [sflag:$0x2], $0x400, $0x38;
	[tilespmem:$0xBC00] =	vst v63  }
0x41: {  	_ =	swait.ge [sflag:s19], $0x400  }
0x42: {  	[sflag:s19] =	ssyncset.done $0x0  }
0x43: {  	[sflag:s19] =	ssyncadd.s32 $0xFFFFFC00  }
0x44: {  	[spmem:s18] =	stream.linear.scatter [tilespmem:s21], [sflag:$0x2], $0x400, $0x38;
	[tilespmem:$0xBC00] =	vst v63  }
0x45: {  	_ =	swait.ge [sflag:s19], $0x400  }
0x46: {  	[sflag:s19] =	ssyncset.done $0x0  }
0x47: {  	[sflag:s19] =	ssyncadd.s32 $0xFFFFFC00  }
0x48: {  	[bflag:$0x0] =	sbarrier.arrive $0xFFFF  }
0x49: {  	[tilespmem:s23], [sflag:$0x1] =	stream.indirect.gather [hbm4b:s4+s22], $0x10, s3, s22, $0xb8;
	[tilespmem:$0xBC00] =	vst v63  }
0x4a: {  	_ =	swait.ge [sflag:s24], $0x4000  }
0x4b: {  	[sflag:s24] =	ssyncset.done $0x0  }
0x4c: {  	[sflag:s24] =	ssyncadd.s32 $0xFFFFC000  }
0x4d: {  	[spmem:s1] =	stream.indirect.scatter.add.f32 [tilespmem:s23], [sflag:$0x2], $0x10, s20, s22, $0xb8;
	[tilespmem:$0xBC00] =	vst v63  }
0x4e: {  	_ =	swait.ge [sflag:s19], $0x4000  }
0x4f: {  	[sflag:s19] =	ssyncset.done $0x0  }
0x50: {  	[sflag:s19] =	ssyncadd.s32 $0xFFFFC000  }
0x51: {  	[tilespmem:s23], [sflag:$0x1] =	stream.indirect.gather [hbm4b:s4+s22], $0x10, s22, s22, $0xb8;
	[tilespmem:$0xBC00] =	vst v63  }
0x52: {  	_ =	swait.ge [sflag:s24], $0x4000  }
0x53: {  	[sflag:s24] =	ssyncset.done $0x0  }
0x54: {  	s31 =	simm.s32 $0x2C00;
	[sflag:s24] =	ssyncadd.s32 $0xFFFFC000  }
0x55: {  	[spmem:s1] =	stream.indirect.scatter.add.f32 [tilespmem:s23], [sflag:$0x2], $0x10, s31, s22, $0xb8;
	[tilespmem:$0xBC00] =	vst v63  }
0x56: {  	_ =	swait.ge [sflag:s19], $0x4000  }
0x57: {  	[sflag:s19] =	ssyncset.done $0x0  }
0x58: {  	s31 =	simm.s32 $0x800;
	[sflag:s19] =	ssyncadd.s32 $0xFFFFC000  }
0x59: {  	[tilespmem:s23], [sflag:$0x1] =	stream.indirect.gather [hbm4b:s4+s22], $0x10, s31, s22, $0xb8;
	[tilespmem:$0xBC00] =	vst v63  }
0x5a: {  	_ =	swait.ge [sflag:s24], $0x4000  }
0x5b: {  	[sflag:s24] =	ssyncset.done $0x0  }
0x5c: {  	s31 =	simm.s32 $0x3000;
	[sflag:s24] =	ssyncadd.s32 $0xFFFFC000  }
0x5d: {  	[spmem:s1] =	stream.indirect.scatter.add.f32 [tilespmem:s23], [sflag:$0x2], $0x10, s31, s22, $0xb8;
	[tilespmem:$0xBC00] =	vst v63  }
0x5e: {  	_ =	swait.ge [sflag:s19], $0x4000  }
0x5f: {  	[sflag:s19] =	ssyncset.done $0x0  }
0x60: {  	s31 =	simm.s32 $0xC00;
	[sflag:s19] =	ssyncadd.s32 $0xFFFFC000  }
0x61: {  	[tilespmem:s23], [sflag:$0x1] =	stream.indirect.gather [hbm4b:s4+s22], $0x10, s31, s22, $0xb8;
	[tilespmem:$0xBC00] =	vst v63  }
0x62: {  	_ =	swait.ge [sflag:s24], $0x4000  }
0x63: {  	[sflag:s24] =	ssyncset.done $0x0  }
0x64: {  	s31 =	simm.s32 $0x3400;
	[sflag:s24] =	ssyncadd.s32 $0xFFFFC000  }
0x65: {  	[spmem:s1] =	stream.indirect.scatter.add.f32 [tilespmem:s23], [sflag:$0x2], $0x10, s31, s22, $0xb8;
	[tilespmem:$0xBC00] =	vst v63  }
0x66: {  	_ =	swait.ge [sflag:s19], $0x4000  }
0x67: {  	[sflag:s19] =	ssyncset.done $0x0  }
0x68: {  	s31 =	simm.s32 $0x1000;
	[sflag:s19] =	ssyncadd.s32 $0xFFFFC000  }
0x69: {  	[tilespmem:s23], [sflag:$0x1] =	stream.indirect.gather [hbm4b:s4+s22], $0x10, s31, s22, $0xb8;
	[tilespmem:$0xBC00] =	vst v63  }
0x6a: {  	_ =	swait.ge [sflag:s24], $0x4000  }
0x6b: {  	[sflag:s24] =	ssyncset.done $0x0  }
0x6c: {  	s31 =	simm.s32 $0x3800;
	[sflag:s24] =	ssyncadd.s32 $0xFFFFC000  }
0x6d: {  	[spmem:s1] =	stream.indirect.scatter.add.f32 [tilespmem:s23], [sflag:$0x2], $0x10, s31, s22, $0xb8;
	[tilespmem:$0xBC00] =	vst v63  }
0x6e: {  	_ =	swait.ge [sflag:s19], $0x4000  }
0x6f: {  	[sflag:s19] =	ssyncset.done $0x0  }
0x70: {  	s31 =	simm.s32 $0x1400;
	[sflag:s19] =	ssyncadd.s32 $0xFFFFC000  }
0x71: {  	[tilespmem:s23], [sflag:$0x1] =	stream.indirect.gather [hbm4b:s4+s22], $0x10, s31, s22, $0xb8;
	[tilespmem:$0xBC00] =	vst v63  }
0x72: {  	_ =	swait.ge [sflag:s24], $0x4000  }
0x73: {  	[sflag:s24] =	ssyncset.done $0x0  }
0x74: {  	s31 =	simm.s32 $0x3C00;
	[sflag:s24] =	ssyncadd.s32 $0xFFFFC000  }
0x75: {  	[spmem:s1] =	stream.indirect.scatter.add.f32 [tilespmem:s23], [sflag:$0x2], $0x10, s31, s22, $0xb8;
	[tilespmem:$0xBC00] =	vst v63  }
0x76: {  	_ =	swait.ge [sflag:s19], $0x4000  }
0x77: {  	[sflag:s19] =	ssyncset.done $0x0  }
0x78: {  	s31 =	simm.s32 $0x1800;
	[sflag:s19] =	ssyncadd.s32 $0xFFFFC000  }
0x79: {  	[tilespmem:s23], [sflag:$0x1] =	stream.indirect.gather [hbm4b:s4+s22], $0x10, s31, s22, $0xb8;
	[tilespmem:$0xBC00] =	vst v63  }
0x7a: {  	_ =	swait.ge [sflag:s24], $0x4000  }
0x7b: {  	[sflag:s24] =	ssyncset.done $0x0  }
0x7c: {  	s31 =	simm.s32 $0x4000;
	[sflag:s24] =	ssyncadd.s32 $0xFFFFC000  }
0x7d: {  	[spmem:s1] =	stream.indirect.scatter.add.f32 [tilespmem:s23], [sflag:$0x2], $0x10, s31, s22, $0xb8;
	[tilespmem:$0xBC00] =	vst v63  }
0x7e: {  	_ =	swait.ge [sflag:s19], $0x4000  }
0x7f: {  	[sflag:s19] =	ssyncset.done $0x0  }
0x80: {  	s31 =	simm.s32 $0x1C00;
	[sflag:s19] =	ssyncadd.s32 $0xFFFFC000  }
0x81: {  	[tilespmem:s23], [sflag:$0x1] =	stream.indirect.gather [hbm4b:s4+s22], $0x10, s31, s22, $0xb8;
	[tilespmem:$0xBC00] =	vst v63  }
0x82: {  	_ =	swait.ge [sflag:s24], $0x4000  }
0x83: {  	[sflag:s24] =	ssyncset.done $0x0  }
0x84: {  	s31 =	simm.s32 $0x4400;
	[sflag:s24] =	ssyncadd.s32 $0xFFFFC000  }
0x85: {  	[spmem:s1] =	stream.indirect.scatter.add.f32 [tilespmem:s23], [sflag:$0x2], $0x10, s31, s22, $0xb8;
	[tilespmem:$0xBC00] =	vst v63  }
0x86: {  	_ =	swait.ge [sflag:s19], $0x4000  }
0x87: {  	[sflag:s19] =	ssyncset.done $0x0  }
0x88: {  	[sflag:s19] =	ssyncadd.s32 $0xFFFFC000  }
0x89: {  	[tilespmem:s23], [sflag:$0x1] =	stream.indirect.gather [hbm4b:s4+s22], $0x10, s2, s22, $0xb8;
	[tilespmem:$0xBC00] =	vst v63  }
0x8a: {  	_ =	swait.ge [sflag:s24], $0x4000  }
0x8b: {  	[sflag:s24] =	ssyncset.done $0x0  }
0x8c: {  	[sflag:s24] =	ssyncadd.s32 $0xFFFFC000  }
0x8d: {  	[spmem:s1] =	stream.indirect.scatter.add.f32 [tilespmem:s23], [sflag:$0x2], $0x10, s26, s22, $0xb8;
	[tilespmem:$0xBC00] =	vst v63  }
0x8e: {  	_ =	swait.ge [sflag:s19], $0x4000  }
0x8f: {  	[sflag:s19] =	ssyncset.done $0x0  }
0x90: {  	[sflag:s19] =	ssyncadd.s32 $0xFFFFC000  }
0x91: {  	[tilespmem:s23], [sflag:$0x1] =	stream.indirect.gather [hbm4b:s4+s22], $0x10, s28, s22, $0xb8;
	[tilespmem:$0xBC00] =	vst v63  }
0x92: {  	_ =	swait.ge [sflag:s24], $0x4000  }
0x93: {  	[sflag:s24] =	ssyncset.done $0x0  }
0x94: {  	[sflag:s24] =	ssyncadd.s32 $0xFFFFC000  }
0x95: {  	[spmem:s1] =	stream.indirect.scatter.add.f32 [tilespmem:s23], [sflag:$0x2], $0x10, s29, s22, $0xb8;
	[tilespmem:$0xBC00] =	vst v63  }
0x96: {  	_ =	swait.ge [sflag:s19], $0x4000  }
0x97: {  	s30 =	sadd.s32 $0x1, s30;
	s31 =	stileid.u32;
	[sflag:s19] =	ssyncset.done $0x0  }
0x98: {  	p0 =	sne.s32 s30, s9;
	s0 =	sshll.u32 s31, $0x6;
	[sflag:s19] =	ssyncadd.s32 $0xFFFFC000  }
.Ltmp1:
0x99: {  	s0 =	sor.u32 $0x1C02, s0;
	[bflag:$0x0] =	sbarrier.arrive $0xFFFF;
	(pc) =	sbr.rel @p0 .LBB2_1-.Ltmp1, $4  }
0x9a: {  	[hbm:s8], [sflag:s0] =	dma.local [spmem:s25], $0x500  }
0x9b: {  	_ =	swait.ge [sflag:s19], $0x500  }
0x9c: {  	[sflag:s19] =	ssyncset.done $0x0  }
0x9d: {  	[sflag:s19] =	ssyncadd.s32 $0xFFFFFB00  }
0x9e: {  	_ =	sfence.sel $0x180000  }
0x9f: {  	[bflag:$0x0] =	sbarrier.arrive $0xFFFF  }
0xa0: {  	_ =	strace $0x9000004A  }
0xa1: {  	s0 =	stileid.u32;
	[bflag:$0x2] =	sbarrier.arrive $0xFFFF  }
0xa2: {  	p0 =	sne.s32 s0, $0x0;
	s0 =	rddreg [dreg:$0x2]  }
0xa3: {  	s0 =	sadd.s32 @!p0 $0x100000, s0  }
0xa4: {  	[sflag:s0] =	ssyncadd.tile.s32 @!p0 $0x1;
	_ =	shalt  }
.Lfunc_end2:
_tile_overlayer_lowered:
.L_overlay_start_2:
0xa5: {  	(tag) =	ssettag $0x2  }
0xa6: {  	s0 =	rddreg [dreg:$0x0];
	s2 =	stileid.u32  }
0xa7: {  	s1 =	rddreg [dreg:$0x1];
	p0 =	sne.s32 s2, $0x0  }
0xa8: {  	s3 =	rddreg [dreg:$0x2];
	[bflag:$0x3] =	sbarrier.arrive $0xFFFF;
	s2 =	simm.s32 @!p0 $0x1C02  }
0xa9: {  	[timem:s3], [sflag:s2] =	dma.local @!p0 [hbm:s0], s1  }
0xaa: {  	s0 =	simm.s32 @!p0 $0x2  }
0xab: {  	_ =	swait.ge @!p0 [sflag:s0], s1  }
0xac: {  	s1 =	ssub.s32 @!p0 $0x0, s1;
	[sflag:s0] =	ssyncset.done @!p0 $0x0  }
0xad: {  	[sflag:s0] =	ssyncadd.s32 @!p0 s1  }
0xae: {  	[bflag:$0x3] =	sbarrier.arrive $0xFFFF  }
0xaf: {  	_ =	shalt  }

</sc_bundles>
